<compile_context>
chip_gen: v7x
topology: tpu7x:2x2x1
jax: 0.10.2.dev20260603
libtpu: 0.0.44.dev20260713+nightly
codegen_flags: <defaults>
</compile_context>

<pallas_src>
import functools

import jax
import jax.numpy as jnp
from jax import lax
from jax.experimental import pallas as pl
from jax.experimental.pallas import tpu as pltpu
from jax.experimental.pallas import tpu_sc as plsc

TRAIN = 100000
BATCH = 16384
BITS = 64
LANES = 16
NC = 2
NS = 16
NW = NC * NS
CPW = BITS // NW
QCH = 4096
NQ = BATCH // QCH
UNROLL = 8

_mesh = plsc.VectorSubcoreMesh(core_axis_name="c", subcore_axis_name="s")


@functools.partial(
    pl.kernel,
    mesh=_mesh,
    compiler_params=pltpu.CompilerParams(needs_layout_passes=False),
    out_type=jax.ShapeDtypeStruct((NW, LANES), jnp.float32),
    scratch_types=[
        pltpu.VMEM((TRAIN,), jnp.float32),
        pltpu.VMEM((BATCH,), jnp.int32),
        pltpu.VMEM((2, QCH), jnp.float32),
        pltpu.VMEM((LANES,), jnp.float32),
        pltpu.SemaphoreType.DMA,
        pltpu.SemaphoreType.DMA,
        pltpu.SemaphoreType.DMA,
        pltpu.SemaphoreType.DMA,
    ],
)
def _mse_partials(xT_hbm, idx_hbm, HT_hbm, out_hbm,
                  hc_v, idx_v, xq_v, acc_v, sem_h, sem_x0, sem_x1, sem_i):
    wid = lax.axis_index("s") * NC + lax.axis_index("c")
    sem_x = (sem_x0, sem_x1)

    idx_cp = pltpu.async_copy(idx_hbm, idx_v, sem_i)
    acc = (jnp.zeros((LANES,), jnp.float32),) * UNROLL
    for k in range(CPW):
        c = wid * CPW + k
        hc_cp = pltpu.async_copy(HT_hbm.at[c], hc_v, sem_h)
        pltpu.async_copy(xT_hbm.at[c, pl.ds(0, QCH)], xq_v.at[0], sem_x[0])
        hc_cp.wait()
        if k == 0:
            idx_cp.wait()
        for q in range(NQ):
            if q + 1 < NQ:
                pltpu.async_copy(
                    xT_hbm.at[c, pl.ds((q + 1) * QCH, QCH)],
                    xq_v.at[(q + 1) % 2], sem_x[(q + 1) % 2])
            pltpu.make_async_copy(
                xT_hbm.at[c, pl.ds(0, QCH)], xq_v.at[q % 2], sem_x[q % 2]
            ).wait()

            def chunk_body(i, accs, q=q):
                idx16 = idx_v[pl.ds(q * QCH + i * LANES, LANES)]
                h16 = plsc.load_gather(hc_v, [idx16])
                x16 = xq_v[q % 2, pl.ds(i * LANES, LANES)]
                d = x16 - h16
                return accs[1:] + (accs[0] + d * d,)

            acc = plsc.parallel_loop(
                0, QCH // LANES, unroll=UNROLL, carry=acc)(chunk_body)

    total = acc[0]
    for u in range(1, UNROLL):
        total = total + acc[u]
    acc_v[...] = total
    pltpu.sync_copy(acc_v, out_hbm.at[wid])


def kernel(x, y, idx, H):
    partials = _mse_partials(x.T, idx.astype(jnp.int32), H.T)
    return jnp.sum(partials) / jnp.float32(BATCH * BITS)

# --- scband reference (transcript-rebuilt; emitter-appended) ---
"""Pipeline reference for scband-cnnh-5600637354287 (READ-ONLY COPY).

The authoritative reference and input builder live on the scoring server;
editing this copy changes nothing except your own understanding.
"""

import jax, jax.numpy as jnp
import numpy as np

TRAIN_SET_SIZE = 100000
BITS = 64
BATCH = 16384

def setup_inputs(seed: int = 0) -> dict:
    key = jax.random.key(seed)
    k1, k2, k3, k4 = jax.random.split(key, 4)
    x = jax.random.normal(k1, (BATCH, BITS), dtype=jnp.float32)
    y = jax.random.randint(k2, (BATCH,), 0, 100, dtype=jnp.int64 if jax.config.jax_enable_x64 else jnp.int32)
    idx = jax.random.randint(k3, (BATCH,), 0, TRAIN_SET_SIZE, dtype=jnp.int64 if jax.config.jax_enable_x64 else jnp.int32)
    # H is the precomputed target hash-code buffer from stage one: sign(+-1) codes
    H = jnp.sign(jax.random.normal(k4, (TRAIN_SET_SIZE, BITS), dtype=jnp.float32))
    H = jnp.where(H == 0, jnp.float32(1.0), H)
    return {"x": x, "y": y, "idx": idx, "H": H}

def reference(x, y, idx, H):
    # CNNH stage-two loss: MSE between network outputs x and gathered target codes H[idx].
    # y (labels) is accepted but unused by the forward, matching the original module.
    target = jnp.take(H, idx, axis=0)
    loss = jnp.mean((x - target) ** 2)
    return loss

if __name__ == "__main__":
    import jax
    _d = setup_inputs()
    print(jax.jit(kernel)(*tuple(_d.values())))

</pallas_src>

<mosaic_0001>
#map = affine_map<(d0, d1) -> (0, 0)>
#map1 = affine_map<(d0, d1) -> (0)>
module attributes {stable_mosaic.version = 14 : i64} {
  func.func @_mse_partials(%arg0: i32, %arg1: i32, %arg2: memref<64x16384xf32, #tpu.memory_space<hbm>>, %arg3: memref<16384xi32, #tpu.memory_space<hbm>>, %arg4: memref<64x100000xf32, #tpu.memory_space<hbm>>, %arg5: memref<32x16xf32, #tpu.memory_space<hbm>>, %arg6: memref<100000xf32, #tpu.memory_space<vmem>>, %arg7: memref<16384xi32, #tpu.memory_space<vmem>>, %arg8: memref<2x4096xf32, #tpu.memory_space<vmem>>, %arg9: memref<16xf32, #tpu.memory_space<vmem>>, %arg10: memref<!tpu.dma_semaphore, #tpu.memory_space<semaphore_mem>>, %arg11: memref<!tpu.dma_semaphore, #tpu.memory_space<semaphore_mem>>, %arg12: memref<!tpu.dma_semaphore, #tpu.memory_space<semaphore_mem>>, %arg13: memref<!tpu.dma_semaphore, #tpu.memory_space<semaphore_mem>>) attributes {dimension_semantics = [#tpu.dimension_semantics<core_parallel>, #tpu.dimension_semantics<subcore_parallel>], iteration_bounds = array<i64: 2, 16>, scalar_prefetch = 0 : i64, scratch_operands = 8 : i64, tpu.core_type = #tpu.core_type<sc_vector_subcore>, window_params = [{transform_indices = #map}, {transform_indices = #map1}, {transform_indices = #map}, {transform_indices = #map}]} {
    %mul3A = arith.constant 2 : i32
    %mul3A_0 = arith.muli %arg1, %mul3A : i32
    %add3A = arith.addi %mul3A_0, %arg0 : i32
    tpu.enqueue_dma source(%arg3 : memref<16384xi32, #tpu.memory_space<hbm>>) target(%arg7 : memref<16384xi32, #tpu.memory_space<vmem>>) target_semaphore(%arg13 : memref<!tpu.dma_semaphore, #tpu.memory_space<semaphore_mem>>)
    %broadcast_in_dim3A = arith.constant 0.000000e+00 : f32
    %broadcast_in_dim3A_1 = vector.broadcast %broadcast_in_dim3A : f32 to vector<16xf32>
    %mul3A_2 = arith.constant 2 : i32
    %mul3A_3 = arith.muli %add3A, %mul3A_2 : i32
    %add3A_4 = arith.constant 0 : i32
    %add3A_5 = arith.addi %mul3A_3, %add3A_4 : i32
    %dma_start3A = arith.constant 0 : i32
    %dma_start3A_6 = tpu.memref_slice %arg4[%add3A_5, %dma_start3A] : memref<64x100000xf32, #tpu.memory_space<hbm>> -> memref<1x100000xf32, #tpu.memory_space<hbm>>
    %dma_start3A_7 = tpu.memref_squeeze %dma_start3A_6 : memref<1x100000xf32, #tpu.memory_space<hbm>> -> memref<100000xf32, #tpu.memory_space<hbm>>
    %dma_start3A_8 = arith.constant 0 : i32
    %dma_start3A_9 = tpu.memref_slice %arg4[%add3A_5, %dma_start3A_8] : memref<64x100000xf32, #tpu.memory_space<hbm>> -> memref<1x100000xf32, #tpu.memory_space<hbm>>
    %dma_start3A_10 = tpu.memref_squeeze %dma_start3A_9 : memref<1x100000xf32, #tpu.memory_space<hbm>> -> memref<100000xf32, #tpu.memory_space<hbm>>
    tpu.enqueue_dma source(%dma_start3A_10 : memref<100000xf32, #tpu.memory_space<hbm>>) target(%arg6 : memref<100000xf32, #tpu.memory_space<vmem>>) target_semaphore(%arg10 : memref<!tpu.dma_semaphore, #tpu.memory_space<semaphore_mem>>)
    %dma_start3A_11 = arith.constant 0 : i32
    %dma_start3A_12 = arith.constant 0 : i32
    %dma_start3A_13 = tpu.memref_slice %arg8[%dma_start3A_11, %dma_start3A_12] : memref<2x4096xf32, #tpu.memory_space<vmem>> -> memref<1x4096xf32, #tpu.memory_space<vmem>>
    %dma_start3A_14 = tpu.memref_squeeze %dma_start3A_13 : memref<1x4096xf32, #tpu.memory_space<vmem>> -> memref<4096xf32, #tpu.memory_space<vmem>>
    %dma_start3A_15 = arith.constant 0 : i32
    %dma_start3A_16 = tpu.memref_slice %arg2[%add3A_5, %dma_start3A_15] : memref<64x16384xf32, #tpu.memory_space<hbm>> -> memref<1x4096xf32, #tpu.memory_space<hbm>>
    %dma_start3A_17 = tpu.memref_squeeze %dma_start3A_16 : memref<1x4096xf32, #tpu.memory_space<hbm>> -> memref<4096xf32, #tpu.memory_space<hbm>>
    %dma_start3A_18 = arith.constant 0 : i32
    %dma_start3A_19 = tpu.memref_slice %arg8[%dma_start3A_11, %dma_start3A_18] : memref<2x4096xf32, #tpu.memory_space<vmem>> -> memref<1x4096xf32, #tpu.memory_space<vmem>>
    %dma_start3A_20 = tpu.memref_squeeze %dma_start3A_19 : memref<1x4096xf32, #tpu.memory_space<vmem>> -> memref<4096xf32, #tpu.memory_space<vmem>>
    %dma_start3A_21 = arith.constant 0 : i32
    %dma_start3A_22 = tpu.memref_slice %arg2[%add3A_5, %dma_start3A_21] : memref<64x16384xf32, #tpu.memory_space<hbm>> -> memref<1x4096xf32, #tpu.memory_space<hbm>>
    %dma_start3A_23 = tpu.memref_squeeze %dma_start3A_22 : memref<1x4096xf32, #tpu.memory_space<hbm>> -> memref<4096xf32, #tpu.memory_space<hbm>>
    tpu.enqueue_dma source(%dma_start3A_23 : memref<4096xf32, #tpu.memory_space<hbm>>) target(%dma_start3A_20 : memref<4096xf32, #tpu.memory_space<vmem>>) target_semaphore(%arg11 : memref<!tpu.dma_semaphore, #tpu.memory_space<semaphore_mem>>)
    %dma_wait3A = arith.constant 0 : i32
    %dma_wait3A_24 = tpu.memref_slice %arg4[%add3A_5, %dma_wait3A] : memref<64x100000xf32, #tpu.memory_space<hbm>> -> memref<1x100000xf32, #tpu.memory_space<hbm>>
    %dma_wait3A_25 = tpu.memref_squeeze %dma_wait3A_24 : memref<1x100000xf32, #tpu.memory_space<hbm>> -> memref<100000xf32, #tpu.memory_space<hbm>>
    %dma_wait3A_26 = arith.constant 0 : i32
    %dma_wait3A_27 = tpu.memref_slice %arg4[%add3A_5, %dma_wait3A_26] : memref<64x100000xf32, #tpu.memory_space<hbm>> -> memref<1x100000xf32, #tpu.memory_space<hbm>>
    %dma_wait3A_28 = tpu.memref_squeeze %dma_wait3A_27 : memref<1x100000xf32, #tpu.memory_space<hbm>> -> memref<100000xf32, #tpu.memory_space<hbm>>
    tpu.wait_dma2 semaphore(%arg10 : memref<!tpu.dma_semaphore, #tpu.memory_space<semaphore_mem>>) src(%dma_wait3A_28 : memref<100000xf32, #tpu.memory_space<hbm>>) dst(%arg6 : memref<100000xf32, #tpu.memory_space<vmem>>)
    tpu.wait_dma2 semaphore(%arg13 : memref<!tpu.dma_semaphore, #tpu.memory_space<semaphore_mem>>) src(%arg3 : memref<16384xi32, #tpu.memory_space<hbm>>) dst(%arg7 : memref<16384xi32, #tpu.memory_space<vmem>>)
    %dma_start3A_29 = arith.constant 1 : i32
    %dma_start3A_30 = arith.constant 0 : i32
    %dma_start3A_31 = tpu.memref_slice %arg8[%dma_start3A_29, %dma_start3A_30] : memref<2x4096xf32, #tpu.memory_space<vmem>> -> memref<1x4096xf32, #tpu.memory_space<vmem>>
    %dma_start3A_32 = tpu.memref_squeeze %dma_start3A_31 : memref<1x4096xf32, #tpu.memory_space<vmem>> -> memref<4096xf32, #tpu.memory_space<vmem>>
    %dma_start3A_33 = arith.constant 4096 : i32
    %dma_start3A_34 = tpu.memref_slice %arg2[%add3A_5, %dma_start3A_33] : memref<64x16384xf32, #tpu.memory_space<hbm>> -> memref<1x4096xf32, #tpu.memory_space<hbm>>
    %dma_start3A_35 = tpu.memref_squeeze %dma_start3A_34 : memref<1x4096xf32, #tpu.memory_space<hbm>> -> memref<4096xf32, #tpu.memory_space<hbm>>
    %dma_start3A_36 = arith.constant 0 : i32
    %dma_start3A_37 = tpu.memref_slice %arg8[%dma_start3A_29, %dma_start3A_36] : memref<2x4096xf32, #tpu.memory_space<vmem>> -> memref<1x4096xf32, #tpu.memory_space<vmem>>
    %dma_start3A_38 = tpu.memref_squeeze %dma_start3A_37 : memref<1x4096xf32, #tpu.memory_space<vmem>> -> memref<4096xf32, #tpu.memory_space<vmem>>
    %dma_start3A_39 = arith.constant 4096 : i32
    %dma_start3A_40 = tpu.memref_slice %arg2[%add3A_5, %dma_start3A_39] : memref<64x16384xf32, #tpu.memory_space<hbm>> -> memref<1x4096xf32, #tpu.memory_space<hbm>>
    %dma_start3A_41 = tpu.memref_squeeze %dma_start3A_40 : memref<1x4096xf32, #tpu.memory_space<hbm>> -> memref<4096xf32, #tpu.memory_space<hbm>>
    tpu.enqueue_dma source(%dma_start3A_41 : memref<4096xf32, #tpu.memory_space<hbm>>) target(%dma_start3A_38 : memref<4096xf32, #tpu.memory_space<vmem>>) target_semaphore(%arg12 : memref<!tpu.dma_semaphore, #tpu.memory_space<semaphore_mem>>)
    %dma_wait3A_42 = arith.constant 0 : i32
    %dma_wait3A_43 = arith.constant 0 : i32
    %dma_wait3A_44 = tpu.memref_slice %arg8[%dma_wait3A_42, %dma_wait3A_43] : memref<2x4096xf32, #tpu.memory_space<vmem>> -> memref<1x4096xf32, #tpu.memory_space<vmem>>
    %dma_wait3A_45 = tpu.memref_squeeze %dma_wait3A_44 : memref<1x4096xf32, #tpu.memory_space<vmem>> -> memref<4096xf32, #tpu.memory_space<vmem>>
    %dma_wait3A_46 = arith.constant 0 : i32
    %dma_wait3A_47 = tpu.memref_slice %arg2[%add3A_5, %dma_wait3A_46] : memref<64x16384xf32, #tpu.memory_space<hbm>> -> memref<1x4096xf32, #tpu.memory_space<hbm>>
    %dma_wait3A_48 = tpu.memref_squeeze %dma_wait3A_47 : memref<1x4096xf32, #tpu.memory_space<hbm>> -> memref<4096xf32, #tpu.memory_space<hbm>>
    %dma_wait3A_49 = arith.constant 0 : i32
    %dma_wait3A_50 = tpu.memref_slice %arg8[%dma_wait3A_42, %dma_wait3A_49] : memref<2x4096xf32, #tpu.memory_space<vmem>> -> memref<1x4096xf32, #tpu.memory_space<vmem>>
    %dma_wait3A_51 = tpu.memref_squeeze %dma_wait3A_50 : memref<1x4096xf32, #tpu.memory_space<vmem>> -> memref<4096xf32, #tpu.memory_space<vmem>>
    %dma_wait3A_52 = arith.constant 0 : i32
    %dma_wait3A_53 = tpu.memref_slice %arg2[%add3A_5, %dma_wait3A_52] : memref<64x16384xf32, #tpu.memory_space<hbm>> -> memref<1x4096xf32, #tpu.memory_space<hbm>>
    %dma_wait3A_54 = tpu.memref_squeeze %dma_wait3A_53 : memref<1x4096xf32, #tpu.memory_space<hbm>> -> memref<4096xf32, #tpu.memory_space<hbm>>
    tpu.wait_dma2 semaphore(%arg11 : memref<!tpu.dma_semaphore, #tpu.memory_space<semaphore_mem>>) src(%dma_wait3A_54 : memref<4096xf32, #tpu.memory_space<hbm>>) dst(%dma_wait3A_51 : memref<4096xf32, #tpu.memory_space<vmem>>)
    %parallel_loop3A = arith.constant 0 : i32
    %parallel_loop3A_55 = arith.constant 256 : i32
    %parallel_loop3A_56 = arith.constant 1 : i32
    %parallel_loop3A_57:8 = scf.for %parallel_loop3A_279 = %parallel_loop3A to %parallel_loop3A_55 step %parallel_loop3A_56 iter_args(%parallel_loop3A_280 = %broadcast_in_dim3A_1, %parallel_loop3A_281 = %broadcast_in_dim3A_1, %parallel_loop3A_282 = %broadcast_in_dim3A_1, %parallel_loop3A_283 = %broadcast_in_dim3A_1, %parallel_loop3A_284 = %broadcast_in_dim3A_1, %parallel_loop3A_285 = %broadcast_in_dim3A_1, %parallel_loop3A_286 = %broadcast_in_dim3A_1, %parallel_loop3A_287 = %broadcast_in_dim3A_1) -> (vector<16xf32>, vector<16xf32>, vector<16xf32>, vector<16xf32>, vector<16xf32>, vector<16xf32>, vector<16xf32>, vector<16xf32>)  : i32 {
      %parallel_loop3A_288 = arith.constant 16 : i32
      %parallel_loop3A_289 = arith.muli %parallel_loop3A_279, %parallel_loop3A_288 : i32
      %parallel_loop3A_290 = arith.constant 0 : i32
      %parallel_loop3A_291 = arith.addi %parallel_loop3A_290, %parallel_loop3A_289 : i32
      %parallel_loop3A_292 = arith.index_cast %parallel_loop3A_291 : i32 to index
      %parallel_loop3A_293 = tpu.vector_load %arg7[%parallel_loop3A_292] {strides = array<i32>} : memref<16384xi32, #tpu.memory_space<vmem>>, vector<16xi32>,
      %parallel_loop3A_294 = tpu.vector_load_idx %arg6[%parallel_loop3A_293] : memref<100000xf32, #tpu.memory_space<vmem>>[vector<16xi32>], vector<16xf32>,
      %parallel_loop3A_295 = arith.constant 16 : i32
      %parallel_loop3A_296 = arith.muli %parallel_loop3A_279, %parallel_loop3A_295 : i32
      %parallel_loop3A_297 = arith.constant 0 : i32
      %parallel_loop3A_298 = arith.index_cast %parallel_loop3A_297 : i32 to index
      %parallel_loop3A_299 = arith.index_cast %parallel_loop3A_296 : i32 to index
      %parallel_loop3A_300 = tpu.vector_load %arg8[%parallel_loop3A_298, %parallel_loop3A_299] {strides = array<i32>} : memref<2x4096xf32, #tpu.memory_space<vmem>>, vector<16xf32>,
      %parallel_loop3A_301 = arith.subf %parallel_loop3A_300, %parallel_loop3A_294 : vector<16xf32>
      %parallel_loop3A_302 = arith.mulf %parallel_loop3A_301, %parallel_loop3A_301 : vector<16xf32>
      %parallel_loop3A_303 = arith.addf %parallel_loop3A_280, %parallel_loop3A_302 : vector<16xf32>
      scf.yield %parallel_loop3A_281, %parallel_loop3A_282, %parallel_loop3A_283, %parallel_loop3A_284, %parallel_loop3A_285, %parallel_loop3A_286, %parallel_loop3A_287, %parallel_loop3A_303 : vector<16xf32>, vector<16xf32>, vector<16xf32>, vector<16xf32>, vector<16xf32>, vector<16xf32>, vector<16xf32>, vector<16xf32>
    } {sc.loop_unroll_factor = 8 : i64, sc.parallel_access}
    %dma_start3A_58 = arith.constant 0 : i32
    %dma_start3A_59 = arith.constant 0 : i32
    %dma_start3A_60 = tpu.memref_slice %arg8[%dma_start3A_58, %dma_start3A_59] : memref<2x4096xf32, #tpu.memory_space<vmem>> -> memref<1x4096xf32, #tpu.memory_space<vmem>>
    %dma_start3A_61 = tpu.memref_squeeze %dma_start3A_60 : memref<1x4096xf32, #tpu.memory_space<vmem>> -> memref<4096xf32, #tpu.memory_space<vmem>>
    %dma_start3A_62 = arith.constant 8192 : i32
    %dma_start3A_63 = tpu.memref_slice %arg2[%add3A_5, %dma_start3A_62] : memref<64x16384xf32, #tpu.memory_space<hbm>> -> memref<1x4096xf32, #tpu.memory_space<hbm>>
    %dma_start3A_64 = tpu.memref_squeeze %dma_start3A_63 : memref<1x4096xf32, #tpu.memory_space<hbm>> -> memref<4096xf32, #tpu.memory_space<hbm>>
    %dma_start3A_65 = arith.constant 0 : i32
    %dma_start3A_66 = tpu.memref_slice %arg8[%dma_start3A_58, %dma_start3A_65] : memref<2x4096xf32, #tpu.memory_space<vmem>> -> memref<1x4096xf32, #tpu.memory_space<vmem>>
    %dma_start3A_67 = tpu.memref_squeeze %dma_start3A_66 : memref<1x4096xf32, #tpu.memory_space<vmem>> -> memref<4096xf32, #tpu.memory_space<vmem>>
    %dma_start3A_68 = arith.constant 8192 : i32
    %dma_start3A_69 = tpu.memref_slice %arg2[%add3A_5, %dma_start3A_68] : memref<64x16384xf32, #tpu.memory_space<hbm>> -> memref<1x4096xf32, #tpu.memory_space<hbm>>
    %dma_start3A_70 = tpu.memref_squeeze %dma_start3A_69 : memref<1x4096xf32, #tpu.memory_space<hbm>> -> memref<4096xf32, #tpu.memory_space<hbm>>
    tpu.enqueue_dma source(%dma_start3A_70 : memref<4096xf32, #tpu.memory_space<hbm>>) target(%dma_start3A_67 : memref<4096xf32, #tpu.memory_space<vmem>>) target_semaphore(%arg11 : memref<!tpu.dma_semaphore, #tpu.memory_space<semaphore_mem>>)
    %dma_wait3A_71 = arith.constant 1 : i32
    %dma_wait3A_72 = arith.constant 0 : i32
    %dma_wait3A_73 = tpu.memref_slice %arg8[%dma_wait3A_71, %dma_wait3A_72] : memref<2x4096xf32, #tpu.memory_space<vmem>> -> memref<1x4096xf32, #tpu.memory_space<vmem>>
    %dma_wait3A_74 = tpu.memref_squeeze %dma_wait3A_73 : memref<1x4096xf32, #tpu.memory_space<vmem>> -> memref<4096xf32, #tpu.memory_space<vmem>>
    %dma_wait3A_75 = arith.constant 0 : i32
    %dma_wait3A_76 = tpu.memref_slice %arg2[%add3A_5, %dma_wait3A_75] : memref<64x16384xf32, #tpu.memory_space<hbm>> -> memref<1x4096xf32, #tpu.memory_space<hbm>>
    %dma_wait3A_77 = tpu.memref_squeeze %dma_wait3A_76 : memref<1x4096xf32, #tpu.memory_space<hbm>> -> memref<4096xf32, #tpu.memory_space<hbm>>
    %dma_wait3A_78 = arith.constant 0 : i32
    %dma_wait3A_79 = tpu.memref_slice %arg8[%dma_wait3A_71, %dma_wait3A_78] : memref<2x4096xf32, #tpu.memory_space<vmem>> -> memref<1x4096xf32, #tpu.memory_space<vmem>>
    %dma_wait3A_80 = tpu.memref_squeeze %dma_wait3A_79 : memref<1x4096xf32, #tpu.memory_space<vmem>> -> memref<4096xf32, #tpu.memory_space<vmem>>
    %dma_wait3A_81 = arith.constant 0 : i32
    %dma_wait3A_82 = tpu.memref_slice %arg2[%add3A_5, %dma_wait3A_81] : memref<64x16384xf32, #tpu.memory_space<hbm>> -> memref<1x4096xf32, #tpu.memory_space<hbm>>
    %dma_wait3A_83 = tpu.memref_squeeze %dma_wait3A_82 : memref<1x4096xf32, #tpu.memory_space<hbm>> -> memref<4096xf32, #tpu.memory_space<hbm>>
    tpu.wait_dma2 semaphore(%arg12 : memref<!tpu.dma_semaphore, #tpu.memory_space<semaphore_mem>>) src(%dma_wait3A_83 : memref<4096xf32, #tpu.memory_space<hbm>>) dst(%dma_wait3A_80 : memref<4096xf32, #tpu.memory_space<vmem>>)
    %parallel_loop3A_84 = arith.constant 0 : i32
    %parallel_loop3A_85 = arith.constant 256 : i32
    %parallel_loop3A_86 = arith.constant 1 : i32
    %parallel_loop3A_87:8 = scf.for %parallel_loop3A_279 = %parallel_loop3A_84 to %parallel_loop3A_85 step %parallel_loop3A_86 iter_args(%parallel_loop3A_280 = %parallel_loop3A_57#0, %parallel_loop3A_281 = %parallel_loop3A_57#1, %parallel_loop3A_282 = %parallel_loop3A_57#2, %parallel_loop3A_283 = %parallel_loop3A_57#3, %parallel_loop3A_284 = %parallel_loop3A_57#4, %parallel_loop3A_285 = %parallel_loop3A_57#5, %parallel_loop3A_286 = %parallel_loop3A_57#6, %parallel_loop3A_287 = %parallel_loop3A_57#7) -> (vector<16xf32>, vector<16xf32>, vector<16xf32>, vector<16xf32>, vector<16xf32>, vector<16xf32>, vector<16xf32>, vector<16xf32>)  : i32 {
      %parallel_loop3A_288 = arith.constant 16 : i32
      %parallel_loop3A_289 = arith.muli %parallel_loop3A_279, %parallel_loop3A_288 : i32
      %parallel_loop3A_290 = arith.constant 4096 : i32
      %parallel_loop3A_291 = arith.addi %parallel_loop3A_290, %parallel_loop3A_289 : i32
      %parallel_loop3A_292 = arith.index_cast %parallel_loop3A_291 : i32 to index
      %parallel_loop3A_293 = tpu.vector_load %arg7[%parallel_loop3A_292] {strides = array<i32>} : memref<16384xi32, #tpu.memory_space<vmem>>, vector<16xi32>,
      %parallel_loop3A_294 = tpu.vector_load_idx %arg6[%parallel_loop3A_293] : memref<100000xf32, #tpu.memory_space<vmem>>[vector<16xi32>], vector<16xf32>,
      %parallel_loop3A_295 = arith.constant 16 : i32
      %parallel_loop3A_296 = arith.muli %parallel_loop3A_279, %parallel_loop3A_295 : i32
      %parallel_loop3A_297 = arith.constant 1 : i32
      %parallel_loop3A_298 = arith.index_cast %parallel_loop3A_297 : i32 to index
      %parallel_loop3A_299 = arith.index_cast %parallel_loop3A_296 : i32 to index
      %parallel_loop3A_300 = tpu.vector_load %arg8[%parallel_loop3A_298, %parallel_loop3A_299] {strides = array<i32>} : memref<2x4096xf32, #tpu.memory_space<vmem>>, vector<16xf32>,
      %parallel_loop3A_301 = arith.subf %parallel_loop3A_300, %parallel_loop3A_294 : vector<16xf32>
      %parallel_loop3A_302 = arith.mulf %parallel_loop3A_301, %parallel_loop3A_301 : vector<16xf32>
      %parallel_loop3A_303 = arith.addf %parallel_loop3A_280, %parallel_loop3A_302 : vector<16xf32>
      scf.yield %parallel_loop3A_281, %parallel_loop3A_282, %parallel_loop3A_283, %parallel_loop3A_284, %parallel_loop3A_285, %parallel_loop3A_286, %parallel_loop3A_287, %parallel_loop3A_303 : vector<16xf32>, vector<16xf32>, vector<16xf32>, vector<16xf32>, vector<16xf32>, vector<16xf32>, vector<16xf32>, vector<16xf32>
    } {sc.loop_unroll_factor = 8 : i64, sc.parallel_access}
    %dma_start3A_88 = arith.constant 1 : i32
    %dma_start3A_89 = arith.constant 0 : i32
    %dma_start3A_90 = tpu.memref_slice %arg8[%dma_start3A_88, %dma_start3A_89] : memref<2x4096xf32, #tpu.memory_space<vmem>> -> memref<1x4096xf32, #tpu.memory_space<vmem>>
    %dma_start3A_91 = tpu.memref_squeeze %dma_start3A_90 : memref<1x4096xf32, #tpu.memory_space<vmem>> -> memref<4096xf32, #tpu.memory_space<vmem>>
    %dma_start3A_92 = arith.constant 12288 : i32
    %dma_start3A_93 = tpu.memref_slice %arg2[%add3A_5, %dma_start3A_92] : memref<64x16384xf32, #tpu.memory_space<hbm>> -> memref<1x4096xf32, #tpu.memory_space<hbm>>
    %dma_start3A_94 = tpu.memref_squeeze %dma_start3A_93 : memref<1x4096xf32, #tpu.memory_space<hbm>> -> memref<4096xf32, #tpu.memory_space<hbm>>
    %dma_start3A_95 = arith.constant 0 : i32
    %dma_start3A_96 = tpu.memref_slice %arg8[%dma_start3A_88, %dma_start3A_95] : memref<2x4096xf32, #tpu.memory_space<vmem>> -> memref<1x4096xf32, #tpu.memory_space<vmem>>
    %dma_start3A_97 = tpu.memref_squeeze %dma_start3A_96 : memref<1x4096xf32, #tpu.memory_space<vmem>> -> memref<4096xf32, #tpu.memory_space<vmem>>
    %dma_start3A_98 = arith.constant 12288 : i32
    %dma_start3A_99 = tpu.memref_slice %arg2[%add3A_5, %dma_start3A_98] : memref<64x16384xf32, #tpu.memory_space<hbm>> -> memref<1x4096xf32, #tpu.memory_space<hbm>>
    %dma_start3A_100 = tpu.memref_squeeze %dma_start3A_99 : memref<1x4096xf32, #tpu.memory_space<hbm>> -> memref<4096xf32, #tpu.memory_space<hbm>>
    tpu.enqueue_dma source(%dma_start3A_100 : memref<4096xf32, #tpu.memory_space<hbm>>) target(%dma_start3A_97 : memref<4096xf32, #tpu.memory_space<vmem>>) target_semaphore(%arg12 : memref<!tpu.dma_semaphore, #tpu.memory_space<semaphore_mem>>)
    %dma_wait3A_101 = arith.constant 0 : i32
    %dma_wait3A_102 = arith.constant 0 : i32
    %dma_wait3A_103 = tpu.memref_slice %arg8[%dma_wait3A_101, %dma_wait3A_102] : memref<2x4096xf32, #tpu.memory_space<vmem>> -> memref<1x4096xf32, #tpu.memory_space<vmem>>
    %dma_wait3A_104 = tpu.memref_squeeze %dma_wait3A_103 : memref<1x4096xf32, #tpu.memory_space<vmem>> -> memref<4096xf32, #tpu.memory_space<vmem>>
    %dma_wait3A_105 = arith.constant 0 : i32
    %dma_wait3A_106 = tpu.memref_slice %arg2[%add3A_5, %dma_wait3A_105] : memref<64x16384xf32, #tpu.memory_space<hbm>> -> memref<1x4096xf32, #tpu.memory_space<hbm>>
    %dma_wait3A_107 = tpu.memref_squeeze %dma_wait3A_106 : memref<1x4096xf32, #tpu.memory_space<hbm>> -> memref<4096xf32, #tpu.memory_space<hbm>>
    %dma_wait3A_108 = arith.constant 0 : i32
    %dma_wait3A_109 = tpu.memref_slice %arg8[%dma_wait3A_101, %dma_wait3A_108] : memref<2x4096xf32, #tpu.memory_space<vmem>> -> memref<1x4096xf32, #tpu.memory_space<vmem>>
    %dma_wait3A_110 = tpu.memref_squeeze %dma_wait3A_109 : memref<1x4096xf32, #tpu.memory_space<vmem>> -> memref<4096xf32, #tpu.memory_space<vmem>>
    %dma_wait3A_111 = arith.constant 0 : i32
    %dma_wait3A_112 = tpu.memref_slice %arg2[%add3A_5, %dma_wait3A_111] : memref<64x16384xf32, #tpu.memory_space<hbm>> -> memref<1x4096xf32, #tpu.memory_space<hbm>>
    %dma_wait3A_113 = tpu.memref_squeeze %dma_wait3A_112 : memref<1x4096xf32, #tpu.memory_space<hbm>> -> memref<4096xf32, #tpu.memory_space<hbm>>
    tpu.wait_dma2 semaphore(%arg11 : memref<!tpu.dma_semaphore, #tpu.memory_space<semaphore_mem>>) src(%dma_wait3A_113 : memref<4096xf32, #tpu.memory_space<hbm>>) dst(%dma_wait3A_110 : memref<4096xf32, #tpu.memory_space<vmem>>)
    %parallel_loop3A_114 = arith.constant 0 : i32
    %parallel_loop3A_115 = arith.constant 256 : i32
    %parallel_loop3A_116 = arith.constant 1 : i32
    %parallel_loop3A_117:8 = scf.for %parallel_loop3A_279 = %parallel_loop3A_114 to %parallel_loop3A_115 step %parallel_loop3A_116 iter_args(%parallel_loop3A_280 = %parallel_loop3A_87#0, %parallel_loop3A_281 = %parallel_loop3A_87#1, %parallel_loop3A_282 = %parallel_loop3A_87#2, %parallel_loop3A_283 = %parallel_loop3A_87#3, %parallel_loop3A_284 = %parallel_loop3A_87#4, %parallel_loop3A_285 = %parallel_loop3A_87#5, %parallel_loop3A_286 = %parallel_loop3A_87#6, %parallel_loop3A_287 = %parallel_loop3A_87#7) -> (vector<16xf32>, vector<16xf32>, vector<16xf32>, vector<16xf32>, vector<16xf32>, vector<16xf32>, vector<16xf32>, vector<16xf32>)  : i32 {
      %parallel_loop3A_288 = arith.constant 16 : i32
      %parallel_loop3A_289 = arith.muli %parallel_loop3A_279, %parallel_loop3A_288 : i32
      %parallel_loop3A_290 = arith.constant 8192 : i32
      %parallel_loop3A_291 = arith.addi %parallel_loop3A_290, %parallel_loop3A_289 : i32
      %parallel_loop3A_292 = arith.index_cast %parallel_loop3A_291 : i32 to index
      %parallel_loop3A_293 = tpu.vector_load %arg7[%parallel_loop3A_292] {strides = array<i32>} : memref<16384xi32, #tpu.memory_space<vmem>>, vector<16xi32>,
      %parallel_loop3A_294 = tpu.vector_load_idx %arg6[%parallel_loop3A_293] : memref<100000xf32, #tpu.memory_space<vmem>>[vector<16xi32>], vector<16xf32>,
      %parallel_loop3A_295 = arith.constant 16 : i32
      %parallel_loop3A_296 = arith.muli %parallel_loop3A_279, %parallel_loop3A_295 : i32
      %parallel_loop3A_297 = arith.constant 0 : i32
      %parallel_loop3A_298 = arith.index_cast %parallel_loop3A_297 : i32 to index
      %parallel_loop3A_299 = arith.index_cast %parallel_loop3A_296 : i32 to index
      %parallel_loop3A_300 = tpu.vector_load %arg8[%parallel_loop3A_298, %parallel_loop3A_299] {strides = array<i32>} : memref<2x4096xf32, #tpu.memory_space<vmem>>, vector<16xf32>,
      %parallel_loop3A_301 = arith.subf %parallel_loop3A_300, %parallel_loop3A_294 : vector<16xf32>
      %parallel_loop3A_302 = arith.mulf %parallel_loop3A_301, %parallel_loop3A_301 : vector<16xf32>
      %parallel_loop3A_303 = arith.addf %parallel_loop3A_280, %parallel_loop3A_302 : vector<16xf32>
      scf.yield %parallel_loop3A_281, %parallel_loop3A_282, %parallel_loop3A_283, %parallel_loop3A_284, %parallel_loop3A_285, %parallel_loop3A_286, %parallel_loop3A_287, %parallel_loop3A_303 : vector<16xf32>, vector<16xf32>, vector<16xf32>, vector<16xf32>, vector<16xf32>, vector<16xf32>, vector<16xf32>, vector<16xf32>
    } {sc.loop_unroll_factor = 8 : i64, sc.parallel_access}
    %dma_wait3A_118 = arith.constant 1 : i32
    %dma_wait3A_119 = arith.constant 0 : i32
    %dma_wait3A_120 = tpu.memref_slice %arg8[%dma_wait3A_118, %dma_wait3A_119] : memref<2x4096xf32, #tpu.memory_space<vmem>> -> memref<1x4096xf32, #tpu.memory_space<vmem>>
    %dma_wait3A_121 = tpu.memref_squeeze %dma_wait3A_120 : memref<1x4096xf32, #tpu.memory_space<vmem>> -> memref<4096xf32, #tpu.memory_space<vmem>>
    %dma_wait3A_122 = arith.constant 0 : i32
    %dma_wait3A_123 = tpu.memref_slice %arg2[%add3A_5, %dma_wait3A_122] : memref<64x16384xf32, #tpu.memory_space<hbm>> -> memref<1x4096xf32, #tpu.memory_space<hbm>>
    %dma_wait3A_124 = tpu.memref_squeeze %dma_wait3A_123 : memref<1x4096xf32, #tpu.memory_space<hbm>> -> memref<4096xf32, #tpu.memory_space<hbm>>
    %dma_wait3A_125 = arith.constant 0 : i32
    %dma_wait3A_126 = tpu.memref_slice %arg8[%dma_wait3A_118, %dma_wait3A_125] : memref<2x4096xf32, #tpu.memory_space<vmem>> -> memref<1x4096xf32, #tpu.memory_space<vmem>>
    %dma_wait3A_127 = tpu.memref_squeeze %dma_wait3A_126 : memref<1x4096xf32, #tpu.memory_space<vmem>> -> memref<4096xf32, #tpu.memory_space<vmem>>
    %dma_wait3A_128 = arith.constant 0 : i32
    %dma_wait3A_129 = tpu.memref_slice %arg2[%add3A_5, %dma_wait3A_128] : memref<64x16384xf32, #tpu.memory_space<hbm>> -> memref<1x4096xf32, #tpu.memory_space<hbm>>
    %dma_wait3A_130 = tpu.memref_squeeze %dma_wait3A_129 : memref<1x4096xf32, #tpu.memory_space<hbm>> -> memref<4096xf32, #tpu.memory_space<hbm>>
    tpu.wait_dma2 semaphore(%arg12 : memref<!tpu.dma_semaphore, #tpu.memory_space<semaphore_mem>>) src(%dma_wait3A_130 : memref<4096xf32, #tpu.memory_space<hbm>>) dst(%dma_wait3A_127 : memref<4096xf32, #tpu.memory_space<vmem>>)
    %parallel_loop3A_131 = arith.constant 0 : i32
    %parallel_loop3A_132 = arith.constant 256 : i32
    %parallel_loop3A_133 = arith.constant 1 : i32
    %parallel_loop3A_134:8 = scf.for %parallel_loop3A_279 = %parallel_loop3A_131 to %parallel_loop3A_132 step %parallel_loop3A_133 iter_args(%parallel_loop3A_280 = %parallel_loop3A_117#0, %parallel_loop3A_281 = %parallel_loop3A_117#1, %parallel_loop3A_282 = %parallel_loop3A_117#2, %parallel_loop3A_283 = %parallel_loop3A_117#3, %parallel_loop3A_284 = %parallel_loop3A_117#4, %parallel_loop3A_285 = %parallel_loop3A_117#5, %parallel_loop3A_286 = %parallel_loop3A_117#6, %parallel_loop3A_287 = %parallel_loop3A_117#7) -> (vector<16xf32>, vector<16xf32>, vector<16xf32>, vector<16xf32>, vector<16xf32>, vector<16xf32>, vector<16xf32>, vector<16xf32>)  : i32 {
      %parallel_loop3A_288 = arith.constant 16 : i32
      %parallel_loop3A_289 = arith.muli %parallel_loop3A_279, %parallel_loop3A_288 : i32
      %parallel_loop3A_290 = arith.constant 12288 : i32
      %parallel_loop3A_291 = arith.addi %parallel_loop3A_290, %parallel_loop3A_289 : i32
      %parallel_loop3A_292 = arith.index_cast %parallel_loop3A_291 : i32 to index
      %parallel_loop3A_293 = tpu.vector_load %arg7[%parallel_loop3A_292] {strides = array<i32>} : memref<16384xi32, #tpu.memory_space<vmem>>, vector<16xi32>,
      %parallel_loop3A_294 = tpu.vector_load_idx %arg6[%parallel_loop3A_293] : memref<100000xf32, #tpu.memory_space<vmem>>[vector<16xi32>], vector<16xf32>,
      %parallel_loop3A_295 = arith.constant 16 : i32
      %parallel_loop3A_296 = arith.muli %parallel_loop3A_279, %parallel_loop3A_295 : i32
      %parallel_loop3A_297 = arith.constant 1 : i32
      %parallel_loop3A_298 = arith.index_cast %parallel_loop3A_297 : i32 to index
      %parallel_loop3A_299 = arith.index_cast %parallel_loop3A_296 : i32 to index
      %parallel_loop3A_300 = tpu.vector_load %arg8[%parallel_loop3A_298, %parallel_loop3A_299] {strides = array<i32>} : memref<2x4096xf32, #tpu.memory_space<vmem>>, vector<16xf32>,
      %parallel_loop3A_301 = arith.subf %parallel_loop3A_300, %parallel_loop3A_294 : vector<16xf32>
      %parallel_loop3A_302 = arith.mulf %parallel_loop3A_301, %parallel_loop3A_301 : vector<16xf32>
      %parallel_loop3A_303 = arith.addf %parallel_loop3A_280, %parallel_loop3A_302 : vector<16xf32>
      scf.yield %parallel_loop3A_281, %parallel_loop3A_282, %parallel_loop3A_283, %parallel_loop3A_284, %parallel_loop3A_285, %parallel_loop3A_286, %parallel_loop3A_287, %parallel_loop3A_303 : vector<16xf32>, vector<16xf32>, vector<16xf32>, vector<16xf32>, vector<16xf32>, vector<16xf32>, vector<16xf32>, vector<16xf32>
    } {sc.loop_unroll_factor = 8 : i64, sc.parallel_access}
    %mul3A_135 = arith.constant 2 : i32
    %mul3A_136 = arith.muli %add3A, %mul3A_135 : i32
    %add3A_137 = arith.constant 1 : i32
    %add3A_138 = arith.addi %mul3A_136, %add3A_137 : i32
    %dma_start3A_139 = arith.constant 0 : i32
    %dma_start3A_140 = tpu.memref_slice %arg4[%add3A_138, %dma_start3A_139] : memref<64x100000xf32, #tpu.memory_space<hbm>> -> memref<1x100000xf32, #tpu.memory_space<hbm>>
    %dma_start3A_141 = tpu.memref_squeeze %dma_start3A_140 : memref<1x100000xf32, #tpu.memory_space<hbm>> -> memref<100000xf32, #tpu.memory_space<hbm>>
    %dma_start3A_142 = arith.constant 0 : i32
    %dma_start3A_143 = tpu.memref_slice %arg4[%add3A_138, %dma_start3A_142] : memref<64x100000xf32, #tpu.memory_space<hbm>> -> memref<1x100000xf32, #tpu.memory_space<hbm>>
    %dma_start3A_144 = tpu.memref_squeeze %dma_start3A_143 : memref<1x100000xf32, #tpu.memory_space<hbm>> -> memref<100000xf32, #tpu.memory_space<hbm>>
    tpu.enqueue_dma source(%dma_start3A_144 : memref<100000xf32, #tpu.memory_space<hbm>>) target(%arg6 : memref<100000xf32, #tpu.memory_space<vmem>>) target_semaphore(%arg10 : memref<!tpu.dma_semaphore, #tpu.memory_space<semaphore_mem>>)
    %dma_start3A_145 = arith.constant 0 : i32
    %dma_start3A_146 = arith.constant 0 : i32
    %dma_start3A_147 = tpu.memref_slice %arg8[%dma_start3A_145, %dma_start3A_146] : memref<2x4096xf32, #tpu.memory_space<vmem>> -> memref<1x4096xf32, #tpu.memory_space<vmem>>
    %dma_start3A_148 = tpu.memref_squeeze %dma_start3A_147 : memref<1x4096xf32, #tpu.memory_space<vmem>> -> memref<4096xf32, #tpu.memory_space<vmem>>
    %dma_start3A_149 = arith.constant 0 : i32
    %dma_start3A_150 = tpu.memref_slice %arg2[%add3A_138, %dma_start3A_149] : memref<64x16384xf32, #tpu.memory_space<hbm>> -> memref<1x4096xf32, #tpu.memory_space<hbm>>
    %dma_start3A_151 = tpu.memref_squeeze %dma_start3A_150 : memref<1x4096xf32, #tpu.memory_space<hbm>> -> memref<4096xf32, #tpu.memory_space<hbm>>
    %dma_start3A_152 = arith.constant 0 : i32
    %dma_start3A_153 = tpu.memref_slice %arg8[%dma_start3A_145, %dma_start3A_152] : memref<2x4096xf32, #tpu.memory_space<vmem>> -> memref<1x4096xf32, #tpu.memory_space<vmem>>
    %dma_start3A_154 = tpu.memref_squeeze %dma_start3A_153 : memref<1x4096xf32, #tpu.memory_space<vmem>> -> memref<4096xf32, #tpu.memory_space<vmem>>
    %dma_start3A_155 = arith.constant 0 : i32
    %dma_start3A_156 = tpu.memref_slice %arg2[%add3A_138, %dma_start3A_155] : memref<64x16384xf32, #tpu.memory_space<hbm>> -> memref<1x4096xf32, #tpu.memory_space<hbm>>
    %dma_start3A_157 = tpu.memref_squeeze %dma_start3A_156 : memref<1x4096xf32, #tpu.memory_space<hbm>> -> memref<4096xf32, #tpu.memory_space<hbm>>
    tpu.enqueue_dma source(%dma_start3A_157 : memref<4096xf32, #tpu.memory_space<hbm>>) target(%dma_start3A_154 : memref<4096xf32, #tpu.memory_space<vmem>>) target_semaphore(%arg11 : memref<!tpu.dma_semaphore, #tpu.memory_space<semaphore_mem>>)
    %dma_wait3A_158 = arith.constant 0 : i32
    %dma_wait3A_159 = tpu.memref_slice %arg4[%add3A_138, %dma_wait3A_158] : memref<64x100000xf32, #tpu.memory_space<hbm>> -> memref<1x100000xf32, #tpu.memory_space<hbm>>
    %dma_wait3A_160 = tpu.memref_squeeze %dma_wait3A_159 : memref<1x100000xf32, #tpu.memory_space<hbm>> -> memref<100000xf32, #tpu.memory_space<hbm>>
    %dma_wait3A_161 = arith.constant 0 : i32
    %dma_wait3A_162 = tpu.memref_slice %arg4[%add3A_138, %dma_wait3A_161] : memref<64x100000xf32, #tpu.memory_space<hbm>> -> memref<1x100000xf32, #tpu.memory_space<hbm>>
    %dma_wait3A_163 = tpu.memref_squeeze %dma_wait3A_162 : memref<1x100000xf32, #tpu.memory_space<hbm>> -> memref<100000xf32, #tpu.memory_space<hbm>>
    tpu.wait_dma2 semaphore(%arg10 : memref<!tpu.dma_semaphore, #tpu.memory_space<semaphore_mem>>) src(%dma_wait3A_163 : memref<100000xf32, #tpu.memory_space<hbm>>) dst(%arg6 : memref<100000xf32, #tpu.memory_space<vmem>>)
    %dma_start3A_164 = arith.constant 1 : i32
    %dma_start3A_165 = arith.constant 0 : i32
    %dma_start3A_166 = tpu.memref_slice %arg8[%dma_start3A_164, %dma_start3A_165] : memref<2x4096xf32, #tpu.memory_space<vmem>> -> memref<1x4096xf32, #tpu.memory_space<vmem>>
    %dma_start3A_167 = tpu.memref_squeeze %dma_start3A_166 : memref<1x4096xf32, #tpu.memory_space<vmem>> -> memref<4096xf32, #tpu.memory_space<vmem>>
    %dma_start3A_168 = arith.constant 4096 : i32
    %dma_start3A_169 = tpu.memref_slice %arg2[%add3A_138, %dma_start3A_168] : memref<64x16384xf32, #tpu.memory_space<hbm>> -> memref<1x4096xf32, #tpu.memory_space<hbm>>
    %dma_start3A_170 = tpu.memref_squeeze %dma_start3A_169 : memref<1x4096xf32, #tpu.memory_space<hbm>> -> memref<4096xf32, #tpu.memory_space<hbm>>
    %dma_start3A_171 = arith.constant 0 : i32
    %dma_start3A_172 = tpu.memref_slice %arg8[%dma_start3A_164, %dma_start3A_171] : memref<2x4096xf32, #tpu.memory_space<vmem>> -> memref<1x4096xf32, #tpu.memory_space<vmem>>
    %dma_start3A_173 = tpu.memref_squeeze %dma_start3A_172 : memref<1x4096xf32, #tpu.memory_space<vmem>> -> memref<4096xf32, #tpu.memory_space<vmem>>
    %dma_start3A_174 = arith.constant 4096 : i32
    %dma_start3A_175 = tpu.memref_slice %arg2[%add3A_138, %dma_start3A_174] : memref<64x16384xf32, #tpu.memory_space<hbm>> -> memref<1x4096xf32, #tpu.memory_space<hbm>>
    %dma_start3A_176 = tpu.memref_squeeze %dma_start3A_175 : memref<1x4096xf32, #tpu.memory_space<hbm>> -> memref<4096xf32, #tpu.memory_space<hbm>>
    tpu.enqueue_dma source(%dma_start3A_176 : memref<4096xf32, #tpu.memory_space<hbm>>) target(%dma_start3A_173 : memref<4096xf32, #tpu.memory_space<vmem>>) target_semaphore(%arg12 : memref<!tpu.dma_semaphore, #tpu.memory_space<semaphore_mem>>)
    %dma_wait3A_177 = arith.constant 0 : i32
    %dma_wait3A_178 = arith.constant 0 : i32
    %dma_wait3A_179 = tpu.memref_slice %arg8[%dma_wait3A_177, %dma_wait3A_178] : memref<2x4096xf32, #tpu.memory_space<vmem>> -> memref<1x4096xf32, #tpu.memory_space<vmem>>
    %dma_wait3A_180 = tpu.memref_squeeze %dma_wait3A_179 : memref<1x4096xf32, #tpu.memory_space<vmem>> -> memref<4096xf32, #tpu.memory_space<vmem>>
    %dma_wait3A_181 = arith.constant 0 : i32
    %dma_wait3A_182 = tpu.memref_slice %arg2[%add3A_138, %dma_wait3A_181] : memref<64x16384xf32, #tpu.memory_space<hbm>> -> memref<1x4096xf32, #tpu.memory_space<hbm>>
    %dma_wait3A_183 = tpu.memref_squeeze %dma_wait3A_182 : memref<1x4096xf32, #tpu.memory_space<hbm>> -> memref<4096xf32, #tpu.memory_space<hbm>>
    %dma_wait3A_184 = arith.constant 0 : i32
    %dma_wait3A_185 = tpu.memref_slice %arg8[%dma_wait3A_177, %dma_wait3A_184] : memref<2x4096xf32, #tpu.memory_space<vmem>> -> memref<1x4096xf32, #tpu.memory_space<vmem>>
    %dma_wait3A_186 = tpu.memref_squeeze %dma_wait3A_185 : memref<1x4096xf32, #tpu.memory_space<vmem>> -> memref<4096xf32, #tpu.memory_space<vmem>>
    %dma_wait3A_187 = arith.constant 0 : i32
    %dma_wait3A_188 = tpu.memref_slice %arg2[%add3A_138, %dma_wait3A_187] : memref<64x16384xf32, #tpu.memory_space<hbm>> -> memref<1x4096xf32, #tpu.memory_space<hbm>>
    %dma_wait3A_189 = tpu.memref_squeeze %dma_wait3A_188 : memref<1x4096xf32, #tpu.memory_space<hbm>> -> memref<4096xf32, #tpu.memory_space<hbm>>
    tpu.wait_dma2 semaphore(%arg11 : memref<!tpu.dma_semaphore, #tpu.memory_space<semaphore_mem>>) src(%dma_wait3A_189 : memref<4096xf32, #tpu.memory_space<hbm>>) dst(%dma_wait3A_186 : memref<4096xf32, #tpu.memory_space<vmem>>)
    %parallel_loop3A_190 = arith.constant 0 : i32
    %parallel_loop3A_191 = arith.constant 256 : i32
    %parallel_loop3A_192 = arith.constant 1 : i32
    %parallel_loop3A_193:8 = scf.for %parallel_loop3A_279 = %parallel_loop3A_190 to %parallel_loop3A_191 step %parallel_loop3A_192 iter_args(%parallel_loop3A_280 = %parallel_loop3A_134#0, %parallel_loop3A_281 = %parallel_loop3A_134#1, %parallel_loop3A_282 = %parallel_loop3A_134#2, %parallel_loop3A_283 = %parallel_loop3A_134#3, %parallel_loop3A_284 = %parallel_loop3A_134#4, %parallel_loop3A_285 = %parallel_loop3A_134#5, %parallel_loop3A_286 = %parallel_loop3A_134#6, %parallel_loop3A_287 = %parallel_loop3A_134#7) -> (vector<16xf32>, vector<16xf32>, vector<16xf32>, vector<16xf32>, vector<16xf32>, vector<16xf32>, vector<16xf32>, vector<16xf32>)  : i32 {
      %parallel_loop3A_288 = arith.constant 16 : i32
      %parallel_loop3A_289 = arith.muli %parallel_loop3A_279, %parallel_loop3A_288 : i32
      %parallel_loop3A_290 = arith.constant 0 : i32
      %parallel_loop3A_291 = arith.addi %parallel_loop3A_290, %parallel_loop3A_289 : i32
      %parallel_loop3A_292 = arith.index_cast %parallel_loop3A_291 : i32 to index
      %parallel_loop3A_293 = tpu.vector_load %arg7[%parallel_loop3A_292] {strides = array<i32>} : memref<16384xi32, #tpu.memory_space<vmem>>, vector<16xi32>,
      %parallel_loop3A_294 = tpu.vector_load_idx %arg6[%parallel_loop3A_293] : memref<100000xf32, #tpu.memory_space<vmem>>[vector<16xi32>], vector<16xf32>,
      %parallel_loop3A_295 = arith.constant 16 : i32
      %parallel_loop3A_296 = arith.muli %parallel_loop3A_279, %parallel_loop3A_295 : i32
      %parallel_loop3A_297 = arith.constant 0 : i32
      %parallel_loop3A_298 = arith.index_cast %parallel_loop3A_297 : i32 to index
      %parallel_loop3A_299 = arith.index_cast %parallel_loop3A_296 : i32 to index
      %parallel_loop3A_300 = tpu.vector_load %arg8[%parallel_loop3A_298, %parallel_loop3A_299] {strides = array<i32>} : memref<2x4096xf32, #tpu.memory_space<vmem>>, vector<16xf32>,
      %parallel_loop3A_301 = arith.subf %parallel_loop3A_300, %parallel_loop3A_294 : vector<16xf32>
      %parallel_loop3A_302 = arith.mulf %parallel_loop3A_301, %parallel_loop3A_301 : vector<16xf32>
      %parallel_loop3A_303 = arith.addf %parallel_loop3A_280, %parallel_loop3A_302 : vector<16xf32>
      scf.yield %parallel_loop3A_281, %parallel_loop3A_282, %parallel_loop3A_283, %parallel_loop3A_284, %parallel_loop3A_285, %parallel_loop3A_286, %parallel_loop3A_287, %parallel_loop3A_303 : vector<16xf32>, vector<16xf32>, vector<16xf32>, vector<16xf32>, vector<16xf32>, vector<16xf32>, vector<16xf32>, vector<16xf32>
    } {sc.loop_unroll_factor = 8 : i64, sc.parallel_access}
    %dma_start3A_194 = arith.constant 0 : i32
    %dma_start3A_195 = arith.constant 0 : i32
    %dma_start3A_196 = tpu.memref_slice %arg8[%dma_start3A_194, %dma_start3A_195] : memref<2x4096xf32, #tpu.memory_space<vmem>> -> memref<1x4096xf32, #tpu.memory_space<vmem>>
    %dma_start3A_197 = tpu.memref_squeeze %dma_start3A_196 : memref<1x4096xf32, #tpu.memory_space<vmem>> -> memref<4096xf32, #tpu.memory_space<vmem>>
    %dma_start3A_198 = arith.constant 8192 : i32
    %dma_start3A_199 = tpu.memref_slice %arg2[%add3A_138, %dma_start3A_198] : memref<64x16384xf32, #tpu.memory_space<hbm>> -> memref<1x4096xf32, #tpu.memory_space<hbm>>
    %dma_start3A_200 = tpu.memref_squeeze %dma_start3A_199 : memref<1x4096xf32, #tpu.memory_space<hbm>> -> memref<4096xf32, #tpu.memory_space<hbm>>
    %dma_start3A_201 = arith.constant 0 : i32
    %dma_start3A_202 = tpu.memref_slice %arg8[%dma_start3A_194, %dma_start3A_201] : memref<2x4096xf32, #tpu.memory_space<vmem>> -> memref<1x4096xf32, #tpu.memory_space<vmem>>
    %dma_start3A_203 = tpu.memref_squeeze %dma_start3A_202 : memref<1x4096xf32, #tpu.memory_space<vmem>> -> memref<4096xf32, #tpu.memory_space<vmem>>
    %dma_start3A_204 = arith.constant 8192 : i32
    %dma_start3A_205 = tpu.memref_slice %arg2[%add3A_138, %dma_start3A_204] : memref<64x16384xf32, #tpu.memory_space<hbm>> -> memref<1x4096xf32, #tpu.memory_space<hbm>>
    %dma_start3A_206 = tpu.memref_squeeze %dma_start3A_205 : memref<1x4096xf32, #tpu.memory_space<hbm>> -> memref<4096xf32, #tpu.memory_space<hbm>>
    tpu.enqueue_dma source(%dma_start3A_206 : memref<4096xf32, #tpu.memory_space<hbm>>) target(%dma_start3A_203 : memref<4096xf32, #tpu.memory_space<vmem>>) target_semaphore(%arg11 : memref<!tpu.dma_semaphore, #tpu.memory_space<semaphore_mem>>)
    %dma_wait3A_207 = arith.constant 1 : i32
    %dma_wait3A_208 = arith.constant 0 : i32
    %dma_wait3A_209 = tpu.memref_slice %arg8[%dma_wait3A_207, %dma_wait3A_208] : memref<2x4096xf32, #tpu.memory_space<vmem>> -> memref<1x4096xf32, #tpu.memory_space<vmem>>
    %dma_wait3A_210 = tpu.memref_squeeze %dma_wait3A_209 : memref<1x4096xf32, #tpu.memory_space<vmem>> -> memref<4096xf32, #tpu.memory_space<vmem>>
    %dma_wait3A_211 = arith.constant 0 : i32
    %dma_wait3A_212 = tpu.memref_slice %arg2[%add3A_138, %dma_wait3A_211] : memref<64x16384xf32, #tpu.memory_space<hbm>> -> memref<1x4096xf32, #tpu.memory_space<hbm>>
    %dma_wait3A_213 = tpu.memref_squeeze %dma_wait3A_212 : memref<1x4096xf32, #tpu.memory_space<hbm>> -> memref<4096xf32, #tpu.memory_space<hbm>>
    %dma_wait3A_214 = arith.constant 0 : i32
    %dma_wait3A_215 = tpu.memref_slice %arg8[%dma_wait3A_207, %dma_wait3A_214] : memref<2x4096xf32, #tpu.memory_space<vmem>> -> memref<1x4096xf32, #tpu.memory_space<vmem>>
    %dma_wait3A_216 = tpu.memref_squeeze %dma_wait3A_215 : memref<1x4096xf32, #tpu.memory_space<vmem>> -> memref<4096xf32, #tpu.memory_space<vmem>>
    %dma_wait3A_217 = arith.constant 0 : i32
    %dma_wait3A_218 = tpu.memref_slice %arg2[%add3A_138, %dma_wait3A_217] : memref<64x16384xf32, #tpu.memory_space<hbm>> -> memref<1x4096xf32, #tpu.memory_space<hbm>>
    %dma_wait3A_219 = tpu.memref_squeeze %dma_wait3A_218 : memref<1x4096xf32, #tpu.memory_space<hbm>> -> memref<4096xf32, #tpu.memory_space<hbm>>
    tpu.wait_dma2 semaphore(%arg12 : memref<!tpu.dma_semaphore, #tpu.memory_space<semaphore_mem>>) src(%dma_wait3A_219 : memref<4096xf32, #tpu.memory_space<hbm>>) dst(%dma_wait3A_216 : memref<4096xf32, #tpu.memory_space<vmem>>)
    %parallel_loop3A_220 = arith.constant 0 : i32
    %parallel_loop3A_221 = arith.constant 256 : i32
    %parallel_loop3A_222 = arith.constant 1 : i32
    %parallel_loop3A_223:8 = scf.for %parallel_loop3A_279 = %parallel_loop3A_220 to %parallel_loop3A_221 step %parallel_loop3A_222 iter_args(%parallel_loop3A_280 = %parallel_loop3A_193#0, %parallel_loop3A_281 = %parallel_loop3A_193#1, %parallel_loop3A_282 = %parallel_loop3A_193#2, %parallel_loop3A_283 = %parallel_loop3A_193#3, %parallel_loop3A_284 = %parallel_loop3A_193#4, %parallel_loop3A_285 = %parallel_loop3A_193#5, %parallel_loop3A_286 = %parallel_loop3A_193#6, %parallel_loop3A_287 = %parallel_loop3A_193#7) -> (vector<16xf32>, vector<16xf32>, vector<16xf32>, vector<16xf32>, vector<16xf32>, vector<16xf32>, vector<16xf32>, vector<16xf32>)  : i32 {
      %parallel_loop3A_288 = arith.constant 16 : i32
      %parallel_loop3A_289 = arith.muli %parallel_loop3A_279, %parallel_loop3A_288 : i32
      %parallel_loop3A_290 = arith.constant 4096 : i32
      %parallel_loop3A_291 = arith.addi %parallel_loop3A_290, %parallel_loop3A_289 : i32
      %parallel_loop3A_292 = arith.index_cast %parallel_loop3A_291 : i32 to index
      %parallel_loop3A_293 = tpu.vector_load %arg7[%parallel_loop3A_292] {strides = array<i32>} : memref<16384xi32, #tpu.memory_space<vmem>>, vector<16xi32>,
      %parallel_loop3A_294 = tpu.vector_load_idx %arg6[%parallel_loop3A_293] : memref<100000xf32, #tpu.memory_space<vmem>>[vector<16xi32>], vector<16xf32>,
      %parallel_loop3A_295 = arith.constant 16 : i32
      %parallel_loop3A_296 = arith.muli %parallel_loop3A_279, %parallel_loop3A_295 : i32
      %parallel_loop3A_297 = arith.constant 1 : i32
      %parallel_loop3A_298 = arith.index_cast %parallel_loop3A_297 : i32 to index
      %parallel_loop3A_299 = arith.index_cast %parallel_loop3A_296 : i32 to index
      %parallel_loop3A_300 = tpu.vector_load %arg8[%parallel_loop3A_298, %parallel_loop3A_299] {strides = array<i32>} : memref<2x4096xf32, #tpu.memory_space<vmem>>, vector<16xf32>,
      %parallel_loop3A_301 = arith.subf %parallel_loop3A_300, %parallel_loop3A_294 : vector<16xf32>
      %parallel_loop3A_302 = arith.mulf %parallel_loop3A_301, %parallel_loop3A_301 : vector<16xf32>
      %parallel_loop3A_303 = arith.addf %parallel_loop3A_280, %parallel_loop3A_302 : vector<16xf32>
      scf.yield %parallel_loop3A_281, %parallel_loop3A_282, %parallel_loop3A_283, %parallel_loop3A_284, %parallel_loop3A_285, %parallel_loop3A_286, %parallel_loop3A_287, %parallel_loop3A_303 : vector<16xf32>, vector<16xf32>, vector<16xf32>, vector<16xf32>, vector<16xf32>, vector<16xf32>, vector<16xf32>, vector<16xf32>
    } {sc.loop_unroll_factor = 8 : i64, sc.parallel_access}
    %dma_start3A_224 = arith.constant 1 : i32
    %dma_start3A_225 = arith.constant 0 : i32
    %dma_start3A_226 = tpu.memref_slice %arg8[%dma_start3A_224, %dma_start3A_225] : memref<2x4096xf32, #tpu.memory_space<vmem>> -> memref<1x4096xf32, #tpu.memory_space<vmem>>
    %dma_start3A_227 = tpu.memref_squeeze %dma_start3A_226 : memref<1x4096xf32, #tpu.memory_space<vmem>> -> memref<4096xf32, #tpu.memory_space<vmem>>
    %dma_start3A_228 = arith.constant 12288 : i32
    %dma_start3A_229 = tpu.memref_slice %arg2[%add3A_138, %dma_start3A_228] : memref<64x16384xf32, #tpu.memory_space<hbm>> -> memref<1x4096xf32, #tpu.memory_space<hbm>>
    %dma_start3A_230 = tpu.memref_squeeze %dma_start3A_229 : memref<1x4096xf32, #tpu.memory_space<hbm>> -> memref<4096xf32, #tpu.memory_space<hbm>>
    %dma_start3A_231 = arith.constant 0 : i32
    %dma_start3A_232 = tpu.memref_slice %arg8[%dma_start3A_224, %dma_start3A_231] : memref<2x4096xf32, #tpu.memory_space<vmem>> -> memref<1x4096xf32, #tpu.memory_space<vmem>>
    %dma_start3A_233 = tpu.memref_squeeze %dma_start3A_232 : memref<1x4096xf32, #tpu.memory_space<vmem>> -> memref<4096xf32, #tpu.memory_space<vmem>>
    %dma_start3A_234 = arith.constant 12288 : i32
    %dma_start3A_235 = tpu.memref_slice %arg2[%add3A_138, %dma_start3A_234] : memref<64x16384xf32, #tpu.memory_space<hbm>> -> memref<1x4096xf32, #tpu.memory_space<hbm>>
    %dma_start3A_236 = tpu.memref_squeeze %dma_start3A_235 : memref<1x4096xf32, #tpu.memory_space<hbm>> -> memref<4096xf32, #tpu.memory_space<hbm>>
    tpu.enqueue_dma source(%dma_start3A_236 : memref<4096xf32, #tpu.memory_space<hbm>>) target(%dma_start3A_233 : memref<4096xf32, #tpu.memory_space<vmem>>) target_semaphore(%arg12 : memref<!tpu.dma_semaphore, #tpu.memory_space<semaphore_mem>>)
    %dma_wait3A_237 = arith.constant 0 : i32
    %dma_wait3A_238 = arith.constant 0 : i32
    %dma_wait3A_239 = tpu.memref_slice %arg8[%dma_wait3A_237, %dma_wait3A_238] : memref<2x4096xf32, #tpu.memory_space<vmem>> -> memref<1x4096xf32, #tpu.memory_space<vmem>>
    %dma_wait3A_240 = tpu.memref_squeeze %dma_wait3A_239 : memref<1x4096xf32, #tpu.memory_space<vmem>> -> memref<4096xf32, #tpu.memory_space<vmem>>
    %dma_wait3A_241 = arith.constant 0 : i32
    %dma_wait3A_242 = tpu.memref_slice %arg2[%add3A_138, %dma_wait3A_241] : memref<64x16384xf32, #tpu.memory_space<hbm>> -> memref<1x4096xf32, #tpu.memory_space<hbm>>
    %dma_wait3A_243 = tpu.memref_squeeze %dma_wait3A_242 : memref<1x4096xf32, #tpu.memory_space<hbm>> -> memref<4096xf32, #tpu.memory_space<hbm>>
    %dma_wait3A_244 = arith.constant 0 : i32
    %dma_wait3A_245 = tpu.memref_slice %arg8[%dma_wait3A_237, %dma_wait3A_244] : memref<2x4096xf32, #tpu.memory_space<vmem>> -> memref<1x4096xf32, #tpu.memory_space<vmem>>
    %dma_wait3A_246 = tpu.memref_squeeze %dma_wait3A_245 : memref<1x4096xf32, #tpu.memory_space<vmem>> -> memref<4096xf32, #tpu.memory_space<vmem>>
    %dma_wait3A_247 = arith.constant 0 : i32
    %dma_wait3A_248 = tpu.memref_slice %arg2[%add3A_138, %dma_wait3A_247] : memref<64x16384xf32, #tpu.memory_space<hbm>> -> memref<1x4096xf32, #tpu.memory_space<hbm>>
    %dma_wait3A_249 = tpu.memref_squeeze %dma_wait3A_248 : memref<1x4096xf32, #tpu.memory_space<hbm>> -> memref<4096xf32, #tpu.memory_space<hbm>>
    tpu.wait_dma2 semaphore(%arg11 : memref<!tpu.dma_semaphore, #tpu.memory_space<semaphore_mem>>) src(%dma_wait3A_249 : memref<4096xf32, #tpu.memory_space<hbm>>) dst(%dma_wait3A_246 : memref<4096xf32, #tpu.memory_space<vmem>>)
    %parallel_loop3A_250 = arith.constant 0 : i32
    %parallel_loop3A_251 = arith.constant 256 : i32
    %parallel_loop3A_252 = arith.constant 1 : i32
    %parallel_loop3A_253:8 = scf.for %parallel_loop3A_279 = %parallel_loop3A_250 to %parallel_loop3A_251 step %parallel_loop3A_252 iter_args(%parallel_loop3A_280 = %parallel_loop3A_223#0, %parallel_loop3A_281 = %parallel_loop3A_223#1, %parallel_loop3A_282 = %parallel_loop3A_223#2, %parallel_loop3A_283 = %parallel_loop3A_223#3, %parallel_loop3A_284 = %parallel_loop3A_223#4, %parallel_loop3A_285 = %parallel_loop3A_223#5, %parallel_loop3A_286 = %parallel_loop3A_223#6, %parallel_loop3A_287 = %parallel_loop3A_223#7) -> (vector<16xf32>, vector<16xf32>, vector<16xf32>, vector<16xf32>, vector<16xf32>, vector<16xf32>, vector<16xf32>, vector<16xf32>)  : i32 {
      %parallel_loop3A_288 = arith.constant 16 : i32
      %parallel_loop3A_289 = arith.muli %parallel_loop3A_279, %parallel_loop3A_288 : i32
      %parallel_loop3A_290 = arith.constant 8192 : i32
      %parallel_loop3A_291 = arith.addi %parallel_loop3A_290, %parallel_loop3A_289 : i32
      %parallel_loop3A_292 = arith.index_cast %parallel_loop3A_291 : i32 to index
      %parallel_loop3A_293 = tpu.vector_load %arg7[%parallel_loop3A_292] {strides = array<i32>} : memref<16384xi32, #tpu.memory_space<vmem>>, vector<16xi32>,
      %parallel_loop3A_294 = tpu.vector_load_idx %arg6[%parallel_loop3A_293] : memref<100000xf32, #tpu.memory_space<vmem>>[vector<16xi32>], vector<16xf32>,
      %parallel_loop3A_295 = arith.constant 16 : i32
      %parallel_loop3A_296 = arith.muli %parallel_loop3A_279, %parallel_loop3A_295 : i32
      %parallel_loop3A_297 = arith.constant 0 : i32
      %parallel_loop3A_298 = arith.index_cast %parallel_loop3A_297 : i32 to index
      %parallel_loop3A_299 = arith.index_cast %parallel_loop3A_296 : i32 to index
      %parallel_loop3A_300 = tpu.vector_load %arg8[%parallel_loop3A_298, %parallel_loop3A_299] {strides = array<i32>} : memref<2x4096xf32, #tpu.memory_space<vmem>>, vector<16xf32>,
      %parallel_loop3A_301 = arith.subf %parallel_loop3A_300, %parallel_loop3A_294 : vector<16xf32>
      %parallel_loop3A_302 = arith.mulf %parallel_loop3A_301, %parallel_loop3A_301 : vector<16xf32>
      %parallel_loop3A_303 = arith.addf %parallel_loop3A_280, %parallel_loop3A_302 : vector<16xf32>
      scf.yield %parallel_loop3A_281, %parallel_loop3A_282, %parallel_loop3A_283, %parallel_loop3A_284, %parallel_loop3A_285, %parallel_loop3A_286, %parallel_loop3A_287, %parallel_loop3A_303 : vector<16xf32>, vector<16xf32>, vector<16xf32>, vector<16xf32>, vector<16xf32>, vector<16xf32>, vector<16xf32>, vector<16xf32>
    } {sc.loop_unroll_factor = 8 : i64, sc.parallel_access}
    %dma_wait3A_254 = arith.constant 1 : i32
    %dma_wait3A_255 = arith.constant 0 : i32
    %dma_wait3A_256 = tpu.memref_slice %arg8[%dma_wait3A_254, %dma_wait3A_255] : memref<2x4096xf32, #tpu.memory_space<vmem>> -> memref<1x4096xf32, #tpu.memory_space<vmem>>
    %dma_wait3A_257 = tpu.memref_squeeze %dma_wait3A_256 : memref<1x4096xf32, #tpu.memory_space<vmem>> -> memref<4096xf32, #tpu.memory_space<vmem>>
    %dma_wait3A_258 = arith.constant 0 : i32
    %dma_wait3A_259 = tpu.memref_slice %arg2[%add3A_138, %dma_wait3A_258] : memref<64x16384xf32, #tpu.memory_space<hbm>> -> memref<1x4096xf32, #tpu.memory_space<hbm>>
    %dma_wait3A_260 = tpu.memref_squeeze %dma_wait3A_259 : memref<1x4096xf32, #tpu.memory_space<hbm>> -> memref<4096xf32, #tpu.memory_space<hbm>>
    %dma_wait3A_261 = arith.constant 0 : i32
    %dma_wait3A_262 = tpu.memref_slice %arg8[%dma_wait3A_254, %dma_wait3A_261] : memref<2x4096xf32, #tpu.memory_space<vmem>> -> memref<1x4096xf32, #tpu.memory_space<vmem>>
    %dma_wait3A_263 = tpu.memref_squeeze %dma_wait3A_262 : memref<1x4096xf32, #tpu.memory_space<vmem>> -> memref<4096xf32, #tpu.memory_space<vmem>>
    %dma_wait3A_264 = arith.constant 0 : i32
    %dma_wait3A_265 = tpu.memref_slice %arg2[%add3A_138, %dma_wait3A_264] : memref<64x16384xf32, #tpu.memory_space<hbm>> -> memref<1x4096xf32, #tpu.memory_space<hbm>>
    %dma_wait3A_266 = tpu.memref_squeeze %dma_wait3A_265 : memref<1x4096xf32, #tpu.memory_space<hbm>> -> memref<4096xf32, #tpu.memory_space<hbm>>
    tpu.wait_dma2 semaphore(%arg12 : memref<!tpu.dma_semaphore, #tpu.memory_space<semaphore_mem>>) src(%dma_wait3A_266 : memref<4096xf32, #tpu.memory_space<hbm>>) dst(%dma_wait3A_263 : memref<4096xf32, #tpu.memory_space<vmem>>)
    %parallel_loop3A_267 = arith.constant 0 : i32
    %parallel_loop3A_268 = arith.constant 256 : i32
    %parallel_loop3A_269 = arith.constant 1 : i32
    %parallel_loop3A_270:8 = scf.for %parallel_loop3A_279 = %parallel_loop3A_267 to %parallel_loop3A_268 step %parallel_loop3A_269 iter_args(%parallel_loop3A_280 = %parallel_loop3A_253#0, %parallel_loop3A_281 = %parallel_loop3A_253#1, %parallel_loop3A_282 = %parallel_loop3A_253#2, %parallel_loop3A_283 = %parallel_loop3A_253#3, %parallel_loop3A_284 = %parallel_loop3A_253#4, %parallel_loop3A_285 = %parallel_loop3A_253#5, %parallel_loop3A_286 = %parallel_loop3A_253#6, %parallel_loop3A_287 = %parallel_loop3A_253#7) -> (vector<16xf32>, vector<16xf32>, vector<16xf32>, vector<16xf32>, vector<16xf32>, vector<16xf32>, vector<16xf32>, vector<16xf32>)  : i32 {
      %parallel_loop3A_288 = arith.constant 16 : i32
      %parallel_loop3A_289 = arith.muli %parallel_loop3A_279, %parallel_loop3A_288 : i32
      %parallel_loop3A_290 = arith.constant 12288 : i32
      %parallel_loop3A_291 = arith.addi %parallel_loop3A_290, %parallel_loop3A_289 : i32
      %parallel_loop3A_292 = arith.index_cast %parallel_loop3A_291 : i32 to index
      %parallel_loop3A_293 = tpu.vector_load %arg7[%parallel_loop3A_292] {strides = array<i32>} : memref<16384xi32, #tpu.memory_space<vmem>>, vector<16xi32>,
      %parallel_loop3A_294 = tpu.vector_load_idx %arg6[%parallel_loop3A_293] : memref<100000xf32, #tpu.memory_space<vmem>>[vector<16xi32>], vector<16xf32>,
      %parallel_loop3A_295 = arith.constant 16 : i32
      %parallel_loop3A_296 = arith.muli %parallel_loop3A_279, %parallel_loop3A_295 : i32
      %parallel_loop3A_297 = arith.constant 1 : i32
      %parallel_loop3A_298 = arith.index_cast %parallel_loop3A_297 : i32 to index
      %parallel_loop3A_299 = arith.index_cast %parallel_loop3A_296 : i32 to index
      %parallel_loop3A_300 = tpu.vector_load %arg8[%parallel_loop3A_298, %parallel_loop3A_299] {strides = array<i32>} : memref<2x4096xf32, #tpu.memory_space<vmem>>, vector<16xf32>,
      %parallel_loop3A_301 = arith.subf %parallel_loop3A_300, %parallel_loop3A_294 : vector<16xf32>
      %parallel_loop3A_302 = arith.mulf %parallel_loop3A_301, %parallel_loop3A_301 : vector<16xf32>
      %parallel_loop3A_303 = arith.addf %parallel_loop3A_280, %parallel_loop3A_302 : vector<16xf32>
      scf.yield %parallel_loop3A_281, %parallel_loop3A_282, %parallel_loop3A_283, %parallel_loop3A_284, %parallel_loop3A_285, %parallel_loop3A_286, %parallel_loop3A_287, %parallel_loop3A_303 : vector<16xf32>, vector<16xf32>, vector<16xf32>, vector<16xf32>, vector<16xf32>, vector<16xf32>, vector<16xf32>, vector<16xf32>
    } {sc.loop_unroll_factor = 8 : i64, sc.parallel_access}
    %add3A_271 = arith.addf %parallel_loop3A_270#0, %parallel_loop3A_270#1 : vector<16xf32>
    %add3A_272 = arith.addf %add3A_271, %parallel_loop3A_270#2 : vector<16xf32>
    %add3A_273 = arith.addf %add3A_272, %parallel_loop3A_270#3 : vector<16xf32>
    %add3A_274 = arith.addf %add3A_273, %parallel_loop3A_270#4 : vector<16xf32>
    %add3A_275 = arith.addf %add3A_274, %parallel_loop3A_270#5 : vector<16xf32>
    %add3A_276 = arith.addf %add3A_275, %parallel_loop3A_270#6 : vector<16xf32>
    %add3A_277 = arith.addf %add3A_276, %parallel_loop3A_270#7 : vector<16xf32>
    %swap3A = arith.constant 0 : index
    %swap3A_278 = tpu.vector_load %arg9[%swap3A] {strides = array<i32>} : memref<16xf32, #tpu.memory_space<vmem>>, vector<16xf32>,
    tpu.vector_store %arg9[%swap3A], %add3A_277 {strides = array<i32>} : memref<16xf32, #tpu.memory_space<vmem>>, vector<16xf32>,
    "tpu.region"() ({
      %run_scoped3A = tpu.sem_alloc : memref<!tpu.dma_semaphore, #tpu.memory_space<semaphore_mem>>
      %dma_start3A_279 = arith.constant 0 : i32
      %dma_start3A_280 = tpu.memref_slice %arg5[%add3A, %dma_start3A_279] : memref<32x16xf32, #tpu.memory_space<hbm>> -> memref<1x16xf32, #tpu.memory_space<hbm>>
      %dma_start3A_281 = tpu.memref_squeeze %dma_start3A_280 : memref<1x16xf32, #tpu.memory_space<hbm>> -> memref<16xf32, #tpu.memory_space<hbm>>
      %dma_start3A_282 = arith.constant 0 : i32
      %dma_start3A_283 = tpu.memref_slice %arg5[%add3A, %dma_start3A_282] : memref<32x16xf32, #tpu.memory_space<hbm>> -> memref<1x16xf32, #tpu.memory_space<hbm>>
      %dma_start3A_284 = tpu.memref_squeeze %dma_start3A_283 : memref<1x16xf32, #tpu.memory_space<hbm>> -> memref<16xf32, #tpu.memory_space<hbm>>
      tpu.enqueue_dma source(%arg9 : memref<16xf32, #tpu.memory_space<vmem>>) target(%dma_start3A_284 : memref<16xf32, #tpu.memory_space<hbm>>) target_semaphore(%run_scoped3A : memref<!tpu.dma_semaphore, #tpu.memory_space<semaphore_mem>>)
      %dma_wait3A_285 = arith.constant 0 : i32
      %dma_wait3A_286 = tpu.memref_slice %arg5[%add3A, %dma_wait3A_285] : memref<32x16xf32, #tpu.memory_space<hbm>> -> memref<1x16xf32, #tpu.memory_space<hbm>>
      %dma_wait3A_287 = tpu.memref_squeeze %dma_wait3A_286 : memref<1x16xf32, #tpu.memory_space<hbm>> -> memref<16xf32, #tpu.memory_space<hbm>>
      %dma_wait3A_288 = arith.constant 0 : i32
      %dma_wait3A_289 = tpu.memref_slice %arg5[%add3A, %dma_wait3A_288] : memref<32x16xf32, #tpu.memory_space<hbm>> -> memref<1x16xf32, #tpu.memory_space<hbm>>
      %dma_wait3A_290 = tpu.memref_squeeze %dma_wait3A_289 : memref<1x16xf32, #tpu.memory_space<hbm>> -> memref<16xf32, #tpu.memory_space<hbm>>
      tpu.wait_dma2 semaphore(%run_scoped3A : memref<!tpu.dma_semaphore, #tpu.memory_space<semaphore_mem>>) src(%arg9 : memref<16xf32, #tpu.memory_space<vmem>>) dst(%dma_wait3A_290 : memref<16xf32, #tpu.memory_space<hbm>>)
      tpu.yield
    }) : () -> ()
    return
  }
}

</mosaic_0001>

<sc_bundles>
// kernel: kernel.3.cloned.1.call-start
scs
__scs_entry_jumppad:
0x0: {  	(pc) =	sbr.rel $0x88, $3  }
0x1: {  	(tag) =	ssettag $0x0;
	lr =	simm.s32 $0x1  }
0x2: {  	[smem:$0x3F9E] =	sst lr;
	_ =	strace $0xD0000000  }
0x3: {  	_ = 	snop  }
0x4: {  	_ = 	snop  }
0x5: {  	_ = 	snop  }
0x6: {  	_ = 	snop  }
0x7: {  	_ = 	snop  }
__scs_overlays_trampoline_lowered:
0x8: {  	[smem:$0x3FAD] =	sst s0  }
0x9: {  	[smem:$0x3FAE] =	sst s1  }
0xa: {  	[smem:$0x3FAF] =	sst s2  }
0xb: {  	[smem:$0x3FB0] =	sst s3  }
0xc: {  	[smem:$0x3FB1] =	sst s4  }
0xd: {  	[smem:$0x3FB2] =	sst s5  }
0xe: {  	[smem:$0x3FB3] =	sst s6  }
0xf: {  	[smem:$0x3FB4] =	sst s7  }
0x10: {  	[smem:$0x3FB5] =	sst s8  }
0x11: {  	[smem:$0x3FB6] =	sst s9;
	s0 =	simm.s32 @!p0 $0x0  }
0x12: {  	s1 =	sld [smem:$0x3F9C];
	s0 =	simm.s32 @p0 $0x1  }
0x13: {  	[smem:$0x3FB7] =	sst s0;
	s0 =	simm.s32 @!p1 $0x0  }
0x14: {  	s2 =	sld [smem:$0x3F9B];
	s0 =	simm.s32 @p1 $0x1  }
0x15: {  	[smem:$0x3FB8] =	sst s0;
	s0 =	simm.s32 @!p2 $0x0  }
0x16: {  	s3 =	sld [smem:$0x3FDB];
	s0 =	simm.s32 @p2 $0x1  }
0x17: {  	s4 =	simm.s32 $0x1BF5;
	[smem:$0x3FBA] =	sst s0  }
0x18: {  	s0 =	sld [smem:$0x3F9D];
	_ =	swait.ge [sflag:s4], $0x0  }
0x19: {  	s7 =	sld [smem:$0x3F9E]  }
0x1a: {  	s8 =	sadd.s32 $0xFFFFE003, lr  }
0x1b: {  	s9 =	sadd.s32 $0xFFFFFEF7, lr;
	s5 =	simm.s32 $0xFFFFFFFF;
	p2 =	slt.u32 s8, $0xFFFFF086  }
0x1c: {  	p1 =	slt.u32 s9, $0xF7A;
	s5 =	simm.s32 @!p2 $0x0  }
0x1d: {  	s5 =	simm.s32 @p1 $0x1;
	p0 =	seq.s32 s7, s2  }
0x1e: {  	s7 =	smul.u32 @!p0 $0xF7A, s2;
	p2 =	seq.s32 @!p0 s5, $0x0  }
0x1f: {  	s9 =	smul.u32 $0xF7A, s1;
	s8 =	simm.s32 @!p0 $0x1BF5;
	p2 =	por !p2, p0  }
0x20: {  	[sflag:s8] =	ssyncset.s32 @!p0 $0xFFFFF086;
	s6 =	sadd.s32 @!p0 s3, s7;
	s7 =	simm.s32 @!p0 $0x108  }
0x21: {  	s3 =	sadd.s32 s3, s9;
	s6 =	sadd.s32 @!p0 $0x88, s6;
	s7 =	simm.s32 @p2 $0x1082  }
0x22: {  	[simem:s7], [sflag:s8] =	dma.local @!p0 [hbm:s6], $0xF7A  }
0x23: {  	s9 =	sor.u32 $0xD0000000, s2;
	s6 =	simm.s32 $0x108;
	_ =	swait.ge @!p0 [sflag:s8], $0x0  }
0x24: {  	s3 =	sadd.s32 $0x88, s3;
	s6 =	simm.s32 @!p1 $0x1082;
	[sflag:s4] =	ssyncset.s32 $0xFFFFF086  }
0x25: {  	[simem:s6], [sflag:s4] =	dma.local [hbm:s3], $0xF7A  }
0x26: {  	[smem:$0x3F9E] =	sst s1;
	(tag) =	ssettag s2;
	_ =	strace s9  }
0x27: {  	s1 =	sld [smem:$0x3FAE]  }
0x28: {  	s2 =	sld [smem:$0x3FAF]  }
0x29: {  	s4 =	sld [smem:$0x3FB1]  }
0x2a: {  	p0 =	seq.s32 s5, $0x0;
	s5 =	sld [smem:$0x3FB2]  }
0x2b: {  	s6 =	sld [smem:$0x3FB3]  }
0x2c: {  	s7 =	sld [smem:$0x3FB4]  }
0x2d: {  	s3 =	simm.s32 $0x108;
	s8 =	sld [smem:$0x3FB5]  }
0x2e: {  	s3 =	simm.s32 @!p0 $0x1082;
	s9 =	sld [smem:$0x3FB6]  }
0x2f: {  	lr =	sadd.s32 s0, s3;
	s0 =	sld [smem:$0x3FAD]  }
0x30: {  	s3 =	sld [smem:$0x3FB0]  }
0x31: {  	[smem:$0x3FB9] =	sst s10  }
0x32: {  	s10 =	sld [smem:$0x3FB7];
	_ =	sdelay $0x3  }
0x33: {  	p0 =	seq.s32 s10, $0x1;
	s10 =	sld [smem:$0x3FB9];
	_ =	sdelay $0x3  }
0x34: {  	[smem:$0x3FB9] =	sst s10  }
0x35: {  	s10 =	sld [smem:$0x3FB8];
	_ =	sdelay $0x3  }
0x36: {  	p1 =	seq.s32 s10, $0x1;
	s10 =	sld [smem:$0x3FB9];
	_ =	sdelay $0x3  }
0x37: {  	[smem:$0x3FB9] =	sst s10  }
0x38: {  	s10 =	sld [smem:$0x3FBA]  }
0x39: {  	_ = 	snop;
	(pc) =	sbr.ind lr, $3  }
0x3a: {  	_ = 	snop  }
0x3b: {  	_ = 	snop  }
0x3c: {  	p2 =	seq.s32 s10, $0x1;
	s10 =	sld [smem:$0x3FB9]  }
0x3d: {  	_ =	shalt  }
0x3e: {  	_ =	shalt  }
0x3f: {  	_ =	shalt  }
0x40: {  	_ =	shalt  }
0x41: {  	_ =	shalt  }
0x42: {  	_ =	shalt  }
0x43: {  	_ =	shalt  }
0x44: {  	_ =	shalt  }
0x45: {  	_ =	shalt  }
0x46: {  	_ =	shalt  }
0x47: {  	_ =	shalt  }
0x48: {  	_ =	shalt  }
0x49: {  	_ =	shalt  }
0x4a: {  	_ =	shalt  }
0x4b: {  	_ =	shalt  }
0x4c: {  	_ =	shalt  }
0x4d: {  	_ =	shalt  }
0x4e: {  	_ =	shalt  }
0x4f: {  	_ =	shalt  }
0x50: {  	_ =	shalt  }
0x51: {  	_ =	shalt  }
0x52: {  	_ =	shalt  }
0x53: {  	_ =	shalt  }
0x54: {  	_ =	shalt  }
0x55: {  	_ =	shalt  }
0x56: {  	_ =	shalt  }
0x57: {  	_ =	shalt  }
0x58: {  	_ =	shalt  }
0x59: {  	_ =	shalt  }
0x5a: {  	_ =	shalt  }
0x5b: {  	_ =	shalt  }
0x5c: {  	_ =	shalt  }
0x5d: {  	_ =	shalt  }
0x5e: {  	_ =	shalt  }
0x5f: {  	_ =	shalt  }
0x60: {  	_ =	shalt  }
0x61: {  	_ =	shalt  }
0x62: {  	_ =	shalt  }
0x63: {  	_ =	shalt  }
0x64: {  	_ =	shalt  }
0x65: {  	_ =	shalt  }
0x66: {  	_ =	shalt  }
0x67: {  	_ =	shalt  }
0x68: {  	_ =	shalt  }
0x69: {  	_ =	shalt  }
0x6a: {  	_ =	shalt  }
0x6b: {  	_ =	shalt  }
0x6c: {  	_ =	shalt  }
0x6d: {  	_ =	shalt  }
0x6e: {  	_ =	shalt  }
0x6f: {  	_ =	shalt  }
0x70: {  	_ =	shalt  }
0x71: {  	_ =	shalt  }
0x72: {  	_ =	shalt  }
0x73: {  	_ =	shalt  }
0x74: {  	_ =	shalt  }
0x75: {  	_ =	shalt  }
0x76: {  	_ =	shalt  }
0x77: {  	_ =	shalt  }
0x78: {  	_ =	shalt  }
0x79: {  	_ =	shalt  }
0x7a: {  	_ =	shalt  }
0x7b: {  	_ =	shalt  }
0x7c: {  	_ =	shalt  }
0x7d: {  	_ =	shalt  }
0x7e: {  	_ =	shalt  }
0x7f: {  	_ =	shalt  }
0x80: {  	_ =	shalt  }
0x81: {  	_ =	shalt  }
0x82: {  	_ =	shalt  }
0x83: {  	_ =	shalt  }
0x84: {  	_ =	shalt  }
0x85: {  	_ =	shalt  }
0x86: {  	_ =	shalt  }
0x87: {  	_ =	shalt  }
.Lfunc_end0:
.L_simem_size_0:
called_computation_lowered:
.L_overlay_start_0:
0x88: {  	s2 =	sld [smem:$0x3FD9]  }
0x89: {  	s3 =	sld [smem:$0x3FFE];
	_ =	sdelay $0x1  }
0x8a: {  	s1 =	srdreg.scid  }
0x8b: {  	s0 =	sand.u32 $0x1, s1  }
0x8c: {  	s17 =	sshll.u32 s0, $0xA;
	s2 =	sadd.s32 s3, s2  }
0x8d: {  	s2 =	sadd.s32 s2, s17  }
0x8e: {  	[smem:$0x3FC5] =	sst s2  }
0x8f: {  	_ = 	snop  }
0x90: {  	s2 =	sld [smem:$0x3FC9]  }
0x91: {  	s18 =	sld [smem:$0x3FC8]  }
0x92: {  	s4 =	sld [smem:$0x3FC7];
	(tm) =	ssettm $0x1  }
0x93: {  	s5 =	sld [smem:$0x3FFB];
	_ =	sdelay $0x3  }
0x94: {  	_ =	strace s5  }
0x95: {  	s5 =	sld [smem:$0x3FFC];
	_ =	sdelay $0x3  }
0x96: {  	_ =	strace s5  }
0x97: {  	s5 =	sld [smem:$0x3FFD];
	_ =	sdelay $0x3  }
0x98: {  	_ =	strace s5  }
0x99: {  	_ =	strace $0x8FFFFFFF  }
0x9a: {  	s19 =	sld [smem:$0x3FDB];
	_ =	sdelay $0x1  }
0x9b: {  	s6 =	simm.s32 $_scs_section_size  }
0x9c: {  	s7 =	simm.s32 $_size__tile_overlayer_lowered;
	s8 =	simm.s32 $_tile_overlayer_lowered  }
0x9d: {  	s22 =	simm.s32 $0x1BFF;
	s21 =	sshll.u32 s8, $0x1;
	s5 =	sadd.s32 s6, s19  }
0x9e: {  	s9 =	simm.s32 $0x0;
	s20 =	sshll.u32 s7, $0x1;
	s7 =	sadd.s32 s21, s5  }
0x9f: {  	[timem:s9], [sflag:s22] =	dma.local [hbm:s7], s20  }
0xa0: {  	_ =	swait.ge [sflag:s22], s20  }
0xa1: {  	s6 =	ssub.s32 $0x0, s20;
	[sflag:s22] =	ssyncset.done $0x0  }
0xa2: {  	[sflag:s22] =	ssyncadd.s32 s6;
	_ =	sdelay $0x1  }
0xa3: {  	s23 =	simm.s32 $0x1B8B  }
0xa4: {  	_ =	swait.ge [sflag:s23], $0x1  }
0xa5: {  	[sflag:s23] =	ssyncset.done $0x0  }
0xa6: {  	s25 =	simm.s32 $0x1B8E;
	s24 =	sld [smem:$0x3FFE];
	[sflag:s23] =	ssyncadd.s32 $0xFFFFFFFF  }
0xa7: {  	s26 =	simm.s32 $execute0_lowered;
	[smem:$0x3FD2] =	sst s25  }
0xa8: {  	s7 =	sshll.u32 s26, $0x1;
	_ =	strace $0x80000046;
	[dreg:$0x1] =	wrdreg $0xFFFFFFFF  }
0xa9: {  	s28 =	simm.s32 $_size_execute0_lowered;
	s5 =	sadd.s32 s5, s7;
	[dreg:$0x0] =	wrdreg $0x0  }
0xaa: {  	s7 =	sshll.u32 s28, $0x1;
	[dreg:$0x2] =	wrdreg s5  }
0xab: {  	[dreg:$0x3] =	wrdreg s7  }
0xac: {  	[dreg:$0x4] =	wrdreg $0xC0  }
0xad: {  	_ =	task [dreg:s9], $0x5FFFF  }
0xae: {  	[dreg:$0x1] =	wrdreg $0xFFFFFFFF  }
0xaf: {  	[dreg:$0x0] =	wrdreg $0x60  }
0xb0: {  	[dreg:$0x2] =	wrdreg s2  }
0xb1: {  	[dreg:$0x3] =	wrdreg s18  }
0xb2: {  	[dreg:$0x4] =	wrdreg s4  }
0xb3: {  	[dreg:$0x5] =	wrdreg s24  }
0xb4: {  	[dreg:$0x6] =	wrdreg $0x9  }
0xb5: {  	_ =	task.clear_ibuf [dreg:s9], $0x7FFFF;
	_ =	strace $0x90000046  }
0xb6: {  	s29 =	simm.s32 $0x9;
	_ =	strace $0x80000048  }
0xb7: {  	_ =	swait.ge [sflag:s29], $0x1  }
0xb8: {  	[sflag:s29] =	ssyncadd.s32 $0xFFFFFFFF  }
0xb9: {  	_ =	strace $0x90000048  }
0xba: {  	_ =	sfence  }
0xbb: {  	s30 =	sld [smem:$0x0];
	_ =	sdelay $0x2  }
0xbc: {  	s31 =	sshll.u32 s1, $0xD;
	s1 =	sshrl.u32 s1, $0x2  }
0xbd: {  	s3 =	sand.u32 $0x4000, s31;
	s1 =	sadd.s32 s1, s30  }
0xbe: {  	s0 =	sor.u32 s3, s0;
	s1 =	sshll.u32 s1, $0x11  }
0xbf: {  	s0 =	sor.u32 s1, s0  }
0xc0: {  	s0 =	sadd.s32 $0x8F2B, s0  }
0xc1: {  	[sflag:s0] =	ssyncadd.remote.s32 $0x1  }
0xc2: {  	_ =	sfence.sel $0xFFFF  }
0xc3: {  	[dreg:$0x0] =	wrdreg $0xFFFFFFFF;
	(pc) =	sbr.abs _section_cstart, $3  }
0xc4: {  	[dreg:$0x1] =	wrdreg $0xFFFFFFFF  }
0xc5: {  	_ =	task.clear_ibuf [dreg:s9], $0x2FFFF;
	_ =	strace $0x9FFFFFFF  }
0xc6: {  	(tm) =	ssettm $0x7FFFFFFF  }
0xc7: {  	_ =	shalt  }
tec
execute0_lowered:
.L_overlay_start_1:
0x0: {  	(tag) =	ssettag $0x1  }
0x1: {  	s10 =	rddreg [dreg:$0x0]  }
0x2: {  	s2 =	rddreg [dreg:$0x1]  }
0x3: {  	s9 =	rddreg [dreg:$0x2]  }
0x4: {  	s14 =	rddreg [dreg:$0x3];
	s3 =	srdreg.scid  }
0x5: {  	s1 =	stileid.u32;
	s0 =	rddreg [dreg:$0x4];
	s21 =	simm.s32 $0x2  }
0x6: {  	s22 =	simm.s32 $0x3;
	s23 =	simm.s32 $0x1E700;
	s24 =	simm.s32 $0x5  }
0x7: {  	s25 =	simm.s32 $0x0;
	s4 =	sand.u32 $0x1, s3;
	s5 =	sshll.u32 s1, $0x1  }
0x8: {  	s3 =	simm.s32 $0x0;
	s28 =	sshrl.u32 s1, $0x1;
	s17 =	sadd.s32 $0x1000, s10  }
0x9: {  	s18 =	sadd.s32 $0x2000, s10;
	s19 =	sadd.s32 $0x3000, s10;
	s15 =	sor.u32 s4, s5  }
0xa: {  	[smem:$0x7FF] =	sst s3;
	s8 =	smul.u32 $0xC3800, s28;
	s4 =	ssub.s32 $0x2, s4  }
0xb: {  	s12 =	sshll.u32 s28, $0x11;
	s6 =	sshll.u32 s15, $0x8;
	_ =	strace $0x80000047  }
0xc: {  	s29 =	sshrl.u32 s4, $0x1;
	s15 =	sshll.u32 s15, $0x4;
	s11 =	sand.u32 $0x300, s6  }
0xd: {  	s16 =	ssub.s32 s4, s29;
	s14 =	sadd.s32 s14, s15;
	s6 =	sor.u32 s8, s11  }
0xe: {  	s7 =	sor.u32 s12, s11;
	s11 =	sor.u32 $0x80, s11;
	s15 =	smax.u32 s16, $0x1  }
0xf: {  	s16 =	simm.s32 $0x18700;
	s6 =	sshrl.u32 s6, $0x3;
	s13 =	sshrl.u32 s7, $0x3  }
0x10: {  	s20 =	sor.u32 s8, s11;
	s11 =	sor.u32 s12, s11;
	s4 =	sadd.s32 s9, s6  }
0x11: {  	s5 =	sadd.s32 s10, s13;
	s6 =	sadd.s32 s13, s17;
	s7 =	sadd.s32 s13, s18  }
0x12: {  	s8 =	sadd.s32 s13, s19;
	s30 =	sshrl.u32 s20, $0x3;
	s31 =	sshrl.u32 s11, $0x3  }
0x13: {  	s20 =	simm.s32 $0x4;
	s9 =	sadd.s32 s9, s30;
	s10 =	sadd.s32 s10, s31  }
0x14: {  	s11 =	sadd.s32 s31, s17;
	s12 =	sadd.s32 s31, s18;
	s13 =	sadd.s32 s31, s19  }
0x15: {  	s17 =	simm.s32 $0x80;
	s18 =	simm.s32 $0x400;
	s19 =	simm.s32 $0x1  }
.LBB2_1:
0x16: {  	[tilespmem:s16], [sflag:$0x4] =	stream.linear.gather [hbm4b:s2+s3], $0x4000, $0x38;
	[tilespmem:$0x1E780] =	vst v63  }
0x17: {  	s26 =	simm.s32 $0x1C700  }
0x18: {  	s28 =	simm.s32 $0x80;
	s30 =	sadd.s32 $0x0, s5;
	s29 =	simm.s32 $0x1C800  }
0x19: {  	[tilespmem:s3], [sflag:$0x1] =	stream.strided.gather [hbm4b:s4+s17], $0x18700, s18, s17, $0x38;
	[tilespmem:$0x1E780] =	vst v63  }
.LBB2_2:
0x1a: {  	[tilespmem:s26], [sflag:$0x2] =	stream.linear.gather [hbm4b:s30+s3], $0x80, $0x38;
	[tilespmem:$0x1E780] =	vst v63  }
0x1b: {  	s30 =	smov.u32 s28;
	s26 =	smov.u32 s29;
	p0 =	sne.s32 s28, $0xF80  }
.Ltmp0:
0x1c: {  	s28 =	sadd.s32 $0x80, s28;
	(pc) =	sbr.rel @p0 .LBB2_2-.Ltmp0, $2  }
0x1d: {  	_ =	sdelay $0x2  }
0x1e: {  	s29 =	sadd.s32 $0x100, s29;
	s30 =	sadd.s32 s30, s5  }
0x1f: {  	[tilespmem:s26], [sflag:$0x2] =	stream.linear.gather [hbm4b:s30+s3], $0x80, $0x38;
	[tilespmem:$0x1E780] =	vst v63  }
0x20: {  	_ =	swait.ge [sflag:s19], $0x18700  }
0x21: {  	[sflag:s19] =	ssyncset.done $0x0  }
0x22: {  	[sflag:s19] =	ssyncadd.s32 $0xFFFE7900  }
0x23: {  	_ =	swait.ge [sflag:s20], $0x4000  }
0x24: {  	s26 =	simm.s32 $0x1C780;
	s28 =	simm.s32 $0x80;
	[sflag:s20] =	ssyncset.done $0x0  }
0x25: {  	s30 =	sadd.s32 $0x0, s6;
	s29 =	simm.s32 $0x1C880;
	[sflag:s20] =	ssyncadd.s32 $0xFFFFC000  }
.LBB2_4:
0x26: {  	[tilespmem:s26], [sflag:$0x3] =	stream.linear.gather [hbm4b:s30+s3], $0x80, $0x38;
	[tilespmem:$0x1E780] =	vst v63  }
0x27: {  	s30 =	smov.u32 s28;
	s26 =	smov.u32 s29;
	p0 =	sne.s32 s28, $0xF80  }
.Ltmp1:
0x28: {  	s28 =	sadd.s32 $0x80, s28;
	(pc) =	sbr.rel @p0 .LBB2_4-.Ltmp1, $2  }
0x29: {  	_ =	sdelay $0x2  }
0x2a: {  	s29 =	sadd.s32 $0x100, s29;
	s30 =	sadd.s32 s30, s6  }
0x2b: {  	[tilespmem:s26], [sflag:$0x3] =	stream.linear.gather [hbm4b:s30+s3], $0x80, $0x38;
	[tilespmem:$0x1E780] =	vst v63  }
0x2c: {  	_ =	swait.ge [sflag:s21], $0x1000  }
0x2d: {  	[sflag:s21] =	ssyncset.done $0x0  }
0x2e: {  	s31 =	simm.s32 $0x18740;
	[sflag:s21] =	ssyncadd.s32 $0xFFFFF000  }
0x2f: {  	v0 =	vld [tilespmem:s31+$0x30]  }
0x30: {  	v1 =	vld [tilespmem:s31+$0xFFFFFFD0]  }
0x31: {  	v2 =	vld [tilespmem:s31+$0xFFFFFFE0]  }
0x32: {  	v3 =	vld [tilespmem:s31+$0xFFFFFFF0]  }
0x33: {  	v4 =	vld [tilespmem:s31+$0x0]  }
0x34: {  	v5 =	vld [tilespmem:s31+$0x10]  }
0x35: {  	v6 =	vld [tilespmem:s31+$0xFFFFFFC0]  }
0x36: {  	s26 =	simm.s32 $0x1C740;
	v8 =	vld [tilespmem:s31+$0x20]  }
0x37: {  	v9 =	vld [tilespmem:s26+$0x30]  }
0x38: {  	v17 =	vld [tilespmem:s26+$0xFFFFFFE0]  }
0x39: {  	v0 =	vld.idx.msk [tilespmem:v0+s3+$0x0], $0xffff  }
0x3a: {  	v13 =	vld.idx.msk [tilespmem:v1+s3+$0x0], $0xffff  }
0x3b: {  	v12 =	vld.idx.msk [tilespmem:v2+s3+$0x0], $0xffff  }
0x3c: {  	v11 =	vld.idx.msk [tilespmem:v3+s3+$0x0], $0xffff  }
0x3d: {  	v7 =	vld.idx.msk [tilespmem:v4+s3+$0x0], $0xffff  }
0x3e: {  	v2 =	vld.idx.msk [tilespmem:v6+s3+$0x0], $0xffff  }
0x3f: {  	v3 =	vld [tilespmem:s26+$0xFFFFFFC0]  }
0x40: {  	v4 =	vld [tilespmem:s26+$0xFFFFFFD0]  }
0x41: {  	v16 =	vld [tilespmem:s26+$0xFFFFFFF0]  }
0x42: {  	v14 =	vld [tilespmem:s26+$0x0];
	v0 =	vsub.f32 v9, v0  }
0x43: {  	v10 =	vld.idx.msk [tilespmem:v8+s3+$0x0], $0xffff;
	v1 =	vimm.f32 $0.0e+00;
	v8 =	vimm.f32 $0.0e+00  }
0x44: {  	v6 =	vimm.f32 $0.0e+00;
	v9 =	vld.idx.msk [tilespmem:v5+s3+$0x0], $0xffff;
	v19 =	vsub.f32 v3, v2;
	v0 =	vmul.f32 v0, v0  }
0x45: {  	v18 =	vsub.f32 v4, v13;
	v13 =	vld [tilespmem:s26+$0x10];
	v2 =	vimm.f32 $0.0e+00;
	v3 =	vimm.f32 $0.0e+00  }
0x46: {  	s28 =	simm.s32 $0x0;
	s29 =	simm.s32 $0x187C0;
	v15 =	vld [tilespmem:s26+$0x20];
	v4 =	vimm.f32 $0.0e+00;
	v5 =	vimm.f32 $0.0e+00;
	v0 =	vadd.f32 v0, v1  }
.LBB2_6:
0x47: {  	v20 =	vld [tilespmem:s29+$0x30];
	s28 =	sadd.s32 $0x8, s28;
	v19 =	vmul.f32 v19, v19;
	v12 =	vsub.f32 v17, v12  }
0x48: {  	v17 =	vld [tilespmem:s29+$0xFFFFFFD0];
	p0 =	slt.u32 s28, $0xF8;
	v18 =	vmul.f32 v18, v18;
	v11 =	vsub.f32 v16, v11  }
0x49: {  	v16 =	vld [tilespmem:s29+$0xFFFFFFE0];
	v1 =	vadd.f32 v19, v1;
	v12 =	vmul.f32 v12, v12;
	v7 =	vsub.f32 v14, v7  }
0x4a: {  	v14 =	vld [tilespmem:s29+$0xFFFFFFF0];
	v2 =	vadd.f32 v18, v2;
	v11 =	vmul.f32 v11, v11;
	v9 =	vsub.f32 v13, v9  }
0x4b: {  	v13 =	vld [tilespmem:s29+$0x0];
	v3 =	vadd.f32 v12, v3;
	v7 =	vmul.f32 v7, v7;
	v10 =	vsub.f32 v15, v10  }
0x4c: {  	v15 =	vld [tilespmem:s29+$0x10];
	v4 =	vadd.f32 v11, v4;
	v9 =	vmul.f32 v9, v9  }
0x4d: {  	v18 =	vld [tilespmem:s29+$0x20];
	v8 =	vadd.f32 v7, v8;
	v7 =	vmul.f32 v10, v10  }
0x4e: {  	v10 =	vld [tilespmem:s29+$0xFFFFFFC0];
	v5 =	vadd.f32 v9, v5  }
0x4f: {  	s26 =	sadd.s32 $0x100, s26;
	v19 =	vld.idx.msk [tilespmem:v20+s3+$0x0], $0xffff;
	v6 =	vadd.f32 v7, v6  }
0x50: {  	v20 =	vld [tilespmem:s26+$0x30]  }
0x51: {  	v21 =	vld.idx.msk [tilespmem:v17+s3+$0x0], $0xffff  }
0x52: {  	v12 =	vld.idx.msk [tilespmem:v16+s3+$0x0], $0xffff  }
0x53: {  	v11 =	vld.idx.msk [tilespmem:v14+s3+$0x0], $0xffff  }
0x54: {  	v7 =	vld.idx.msk [tilespmem:v13+s3+$0x0], $0xffff  }
0x55: {  	v9 =	vld.idx.msk [tilespmem:v15+s3+$0x0], $0xffff;
	v13 =	vsub.f32 v20, v19  }
0x56: {  	v15 =	vld.idx.msk [tilespmem:v10+s3+$0x0], $0xffff  }
0x57: {  	v10 =	vld.idx.msk [tilespmem:v18+s3+$0x0], $0xffff;
	v13 =	vmul.f32 v13, v13  }
0x58: {  	v18 =	vld [tilespmem:s26+$0xFFFFFFC0]  }
0x59: {  	v20 =	vld [tilespmem:s26+$0xFFFFFFD0];
	v0 =	vadd.f32 v13, v0  }
.Ltmp2:
0x5a: {  	v17 =	vld [tilespmem:s26+$0xFFFFFFE0];
	(pc) =	sbr.rel @p0 .LBB2_6-.Ltmp2, $4  }
0x5b: {  	v16 =	vld [tilespmem:s26+$0xFFFFFFF0]  }
0x5c: {  	v14 =	vld [tilespmem:s26+$0x0]  }
0x5d: {  	v19 =	vsub.f32 v18, v15;
	v13 =	vld [tilespmem:s26+$0x10]  }
0x5e: {  	s29 =	sadd.s32 $0x80, s29;
	v18 =	vsub.f32 v20, v21;
	v15 =	vld [tilespmem:s26+$0x20]  }
0x5f: {  	_ = 	snop  }
0x60: {  	v19 =	vmul.f32 v19, v19  }
0x61: {  	v12 =	vsub.f32 v17, v12;
	v11 =	vsub.f32 v16, v11  }
0x62: {  	v62 =	vmul.f32 v18, v18;
	v1 =	vadd.f32 v19, v1;
	v7 =	vsub.f32 v14, v7  }
0x63: {  	v12 =	vmul.f32 v12, v12;
	v9 =	vsub.f32 v13, v9;
	v10 =	vsub.f32 v15, v10  }
0x64: {  	v2 =	vadd.f32 v62, v2;
	v11 =	vmul.f32 v11, v11;
	v63 =	vmul.f32 v7, v7  }
0x65: {  	v3 =	vadd.f32 v12, v3;
	v9 =	vmul.f32 v9, v9;
	v10 =	vmul.f32 v10, v10  }
0x66: {  	s26 =	simm.s32 $0x1C700;
	v7 =	vadd.f32 v11, v4;
	v8 =	vadd.f32 v63, v8  }
0x67: {  	s28 =	simm.s32 $0x80;
	s30 =	sadd.s32 $0x0, s7;
	s29 =	simm.s32 $0x1C800;
	v9 =	vadd.f32 v9, v5;
	v10 =	vadd.f32 v10, v6  }
.LBB2_8:
0x68: {  	[tilespmem:s26], [sflag:$0x2] =	stream.linear.gather [hbm4b:s30+s3], $0x80, $0x38;
	[tilespmem:$0x1E780] =	vst v63  }
0x69: {  	s30 =	smov.u32 s28;
	s26 =	smov.u32 s29;
	p0 =	sne.s32 s28, $0xF80  }
.Ltmp3:
0x6a: {  	s28 =	sadd.s32 $0x80, s28;
	(pc) =	sbr.rel @p0 .LBB2_8-.Ltmp3, $2  }
0x6b: {  	_ =	sdelay $0x2  }
0x6c: {  	s29 =	sadd.s32 $0x100, s29;
	s30 =	sadd.s32 s30, s7  }
0x6d: {  	[tilespmem:s26], [sflag:$0x2] =	stream.linear.gather [hbm4b:s30+s3], $0x80, $0x38;
	[tilespmem:$0x1E780] =	vst v63  }
0x6e: {  	_ =	swait.ge [sflag:s22], $0x1000  }
0x6f: {  	[sflag:s22] =	ssyncset.done $0x0  }
0x70: {  	s31 =	simm.s32 $0x19770;
	[sflag:s22] =	ssyncadd.s32 $0xFFFFF000  }
0x71: {  	v4 =	vld [tilespmem:s31+$0x0]  }
0x72: {  	v5 =	vld [tilespmem:s31+$0xFFFFFFA0]  }
0x73: {  	v6 =	vld [tilespmem:s31+$0xFFFFFFB0]  }
0x74: {  	v11 =	vld [tilespmem:s31+$0xFFFFFFC0]  }
0x75: {  	v12 =	vld [tilespmem:s31+$0xFFFFFFD0]  }
0x76: {  	v14 =	vld [tilespmem:s31+$0xFFFFFFE0]  }
0x77: {  	v15 =	vld [tilespmem:s31+$0xFFFFFFF0]  }
0x78: {  	s26 =	simm.s32 $0x1C7F0;
	v16 =	vld [tilespmem:s31+$0xFFFFFF90]  }
0x79: {  	v18 =	vld [tilespmem:s26+$0x0]  }
0x7a: {  	v19 =	vld [tilespmem:s26+$0xFFFFFF90]  }
0x7b: {  	v17 =	vld.idx.msk [tilespmem:v4+s3+$0x0], $0xffff  }
0x7c: {  	v20 =	vld.idx.msk [tilespmem:v5+s3+$0x0], $0xffff  }
0x7d: {  	v13 =	vld.idx.msk [tilespmem:v6+s3+$0x0], $0xffff  }
0x7e: {  	v5 =	vld.idx.msk [tilespmem:v11+s3+$0x0], $0xffff  }
0x7f: {  	v12 =	vld.idx.msk [tilespmem:v12+s3+$0x0], $0xffff  }
0x80: {  	v4 =	vld.idx.msk [tilespmem:v14+s3+$0x0], $0xffff  }
0x81: {  	v14 =	vld.idx.msk [tilespmem:v16+s3+$0x0], $0xffff  }
0x82: {  	v6 =	vld.idx.msk [tilespmem:v15+s3+$0x0], $0xffff  }
0x83: {  	v11 =	vsub.f32 v18, v17;
	v18 =	vld [tilespmem:s26+$0xFFFFFFA0]  }
0x84: {  	v17 =	vld [tilespmem:s26+$0xFFFFFFB0]  }
0x85: {  	v16 =	vld [tilespmem:s26+$0xFFFFFFC0];
	v11 =	vmul.f32 v11, v11  }
0x86: {  	v15 =	vld [tilespmem:s26+$0xFFFFFFD0]  }
0x87: {  	v19 =	vsub.f32 v19, v14;
	v11 =	vadd.f32 v11, v0;
	v0 =	vld [tilespmem:s26+$0xFFFFFFE0]  }
0x88: {  	s28 =	simm.s32 $0x0;
	s29 =	simm.s32 $0x197F0;
	v14 =	vld [tilespmem:s26+$0xFFFFFFF0];
	v18 =	vsub.f32 v18, v20  }
.LBB2_10:
0x89: {  	v20 =	vld [tilespmem:s29+$0x0];
	s28 =	sadd.s32 $0x8, s28;
	v19 =	vmul.f32 v19, v19;
	v13 =	vsub.f32 v17, v13  }
0x8a: {  	v17 =	vld [tilespmem:s29+$0xFFFFFFA0];
	p0 =	slt.u32 s28, $0xF8;
	v18 =	vmul.f32 v18, v18;
	v5 =	vsub.f32 v16, v5  }
0x8b: {  	v16 =	vld [tilespmem:s29+$0xFFFFFFB0];
	v1 =	vadd.f32 v19, v1;
	v13 =	vmul.f32 v13, v13;
	v12 =	vsub.f32 v15, v12  }
0x8c: {  	v15 =	vld [tilespmem:s29+$0xFFFFFFC0];
	v2 =	vadd.f32 v18, v2;
	v5 =	vmul.f32 v5, v5;
	v0 =	vsub.f32 v0, v4  }
0x8d: {  	v4 =	vld [tilespmem:s29+$0xFFFFFFD0];
	v3 =	vadd.f32 v13, v3;
	v12 =	vmul.f32 v12, v12;
	v6 =	vsub.f32 v14, v6  }
0x8e: {  	v14 =	vld [tilespmem:s29+$0xFFFFFFE0];
	v7 =	vadd.f32 v5, v7;
	v0 =	vmul.f32 v0, v0  }
0x8f: {  	v18 =	vld [tilespmem:s29+$0xFFFFFFF0];
	v8 =	vadd.f32 v12, v8;
	v5 =	vmul.f32 v6, v6  }
0x90: {  	v6 =	vld [tilespmem:s29+$0xFFFFFF90];
	v9 =	vadd.f32 v0, v9  }
0x91: {  	s26 =	sadd.s32 $0x100, s26;
	v0 =	vld.idx.msk [tilespmem:v20+s3+$0x0], $0xffff;
	v10 =	vadd.f32 v5, v10  }
0x92: {  	v19 =	vld [tilespmem:s26+$0x0]  }
0x93: {  	v20 =	vld.idx.msk [tilespmem:v17+s3+$0x0], $0xffff  }
0x94: {  	v13 =	vld.idx.msk [tilespmem:v16+s3+$0x0], $0xffff  }
0x95: {  	v5 =	vld.idx.msk [tilespmem:v15+s3+$0x0], $0xffff  }
0x96: {  	v12 =	vld.idx.msk [tilespmem:v4+s3+$0x0], $0xffff  }
0x97: {  	v4 =	vld.idx.msk [tilespmem:v14+s3+$0x0], $0xffff;
	v0 =	vsub.f32 v19, v0  }
0x98: {  	v14 =	vld.idx.msk [tilespmem:v6+s3+$0x0], $0xffff  }
0x99: {  	v6 =	vld.idx.msk [tilespmem:v18+s3+$0x0], $0xffff;
	v0 =	vmul.f32 v0, v0  }
0x9a: {  	v18 =	vld [tilespmem:s26+$0xFFFFFF90]  }
0x9b: {  	v21 =	vld [tilespmem:s26+$0xFFFFFFA0];
	v11 =	vadd.f32 v0, v11  }
.Ltmp4:
0x9c: {  	v17 =	vld [tilespmem:s26+$0xFFFFFFB0];
	(pc) =	sbr.rel @p0 .LBB2_10-.Ltmp4, $4  }
0x9d: {  	v16 =	vld [tilespmem:s26+$0xFFFFFFC0]  }
0x9e: {  	v15 =	vld [tilespmem:s26+$0xFFFFFFD0]  }
0x9f: {  	v19 =	vsub.f32 v18, v14;
	v0 =	vld [tilespmem:s26+$0xFFFFFFE0]  }
0xa0: {  	s29 =	sadd.s32 $0x80, s29;
	v18 =	vsub.f32 v21, v20;
	v14 =	vld [tilespmem:s26+$0xFFFFFFF0]  }
0xa1: {  	_ = 	snop  }
0xa2: {  	v19 =	vmul.f32 v19, v19  }
0xa3: {  	v13 =	vsub.f32 v17, v13;
	v16 =	vsub.f32 v16, v5  }
0xa4: {  	v60 =	vmul.f32 v18, v18;
	v5 =	vadd.f32 v19, v1;
	v1 =	vsub.f32 v15, v12  }
0xa5: {  	v61 =	vmul.f32 v13, v13;
	v0 =	vsub.f32 v0, v4;
	v62 =	vsub.f32 v14, v6  }
0xa6: {  	v6 =	vadd.f32 v60, v2;
	v2 =	vmul.f32 v16, v16;
	v1 =	vmul.f32 v1, v1  }
0xa7: {  	v4 =	vadd.f32 v61, v3;
	v63 =	vmul.f32 v0, v0;
	v13 =	vmul.f32 v62, v62  }
0xa8: {  	s26 =	simm.s32 $0x1C780;
	v3 =	vadd.f32 v2, v7;
	v0 =	vadd.f32 v1, v8  }
0xa9: {  	s28 =	simm.s32 $0x80;
	s30 =	sadd.s32 $0x0, s8;
	s29 =	simm.s32 $0x1C880;
	v2 =	vadd.f32 v63, v9;
	v1 =	vadd.f32 v13, v10  }
.LBB2_12:
0xaa: {  	[tilespmem:s26], [sflag:$0x3] =	stream.linear.gather [hbm4b:s30+s3], $0x80, $0x38;
	[tilespmem:$0x1E780] =	vst v63  }
0xab: {  	s30 =	smov.u32 s28;
	s26 =	smov.u32 s29;
	p0 =	sne.s32 s28, $0xF80  }
.Ltmp5:
0xac: {  	s28 =	sadd.s32 $0x80, s28;
	(pc) =	sbr.rel @p0 .LBB2_12-.Ltmp5, $2  }
0xad: {  	_ =	sdelay $0x2  }
0xae: {  	s29 =	sadd.s32 $0x100, s29;
	s30 =	sadd.s32 s30, s8  }
0xaf: {  	[tilespmem:s26], [sflag:$0x3] =	stream.linear.gather [hbm4b:s30+s3], $0x80, $0x38;
	[tilespmem:$0x1E780] =	vst v63  }
0xb0: {  	_ =	swait.ge [sflag:s21], $0x1000  }
0xb1: {  	[sflag:s21] =	ssyncset.done $0x0  }
0xb2: {  	s31 =	simm.s32 $0x1A770;
	[sflag:s21] =	ssyncadd.s32 $0xFFFFF000  }
0xb3: {  	v7 =	vld [tilespmem:s31+$0x0]  }
0xb4: {  	v8 =	vld [tilespmem:s31+$0xFFFFFFA0]  }
0xb5: {  	v9 =	vld [tilespmem:s31+$0xFFFFFFB0]  }
0xb6: {  	v10 =	vld [tilespmem:s31+$0xFFFFFFC0]  }
0xb7: {  	v12 =	vld [tilespmem:s31+$0xFFFFFFD0]  }
0xb8: {  	v14 =	vld [tilespmem:s31+$0xFFFFFFE0]  }
0xb9: {  	v15 =	vld [tilespmem:s31+$0xFFFFFFF0]  }
0xba: {  	s26 =	simm.s32 $0x1C740;
	v17 =	vld [tilespmem:s31+$0xFFFFFF90]  }
0xbb: {  	v18 =	vld [tilespmem:s26+$0x30]  }
0xbc: {  	v7 =	vld.idx.msk [tilespmem:v7+s3+$0x0], $0xffff  }
0xbd: {  	v22 =	vld.idx.msk [tilespmem:v8+s3+$0x0], $0xffff  }
0xbe: {  	v16 =	vld.idx.msk [tilespmem:v9+s3+$0x0], $0xffff  }
0xbf: {  	v8 =	vld.idx.msk [tilespmem:v10+s3+$0x0], $0xffff  }
0xc0: {  	v13 =	vld.idx.msk [tilespmem:v12+s3+$0x0], $0xffff  }
0xc1: {  	v9 =	vld.idx.msk [tilespmem:v14+s3+$0x0], $0xffff  }
0xc2: {  	v12 =	vld.idx.msk [tilespmem:v17+s3+$0x0], $0xffff  }
0xc3: {  	v10 =	vld.idx.msk [tilespmem:v15+s3+$0x0], $0xffff  }
0xc4: {  	v14 =	vld [tilespmem:s26+$0xFFFFFFC0]  }
0xc5: {  	v15 =	vld [tilespmem:s26+$0xFFFFFFD0];
	v7 =	vsub.f32 v18, v7  }
0xc6: {  	v21 =	vld [tilespmem:s26+$0xFFFFFFE0]  }
0xc7: {  	v20 =	vld [tilespmem:s26+$0xFFFFFFF0];
	v7 =	vmul.f32 v7, v7  }
0xc8: {  	v19 =	vld [tilespmem:s26+$0x0]  }
0xc9: {  	v12 =	vsub.f32 v14, v12;
	v7 =	vadd.f32 v7, v11;
	v11 =	vld [tilespmem:s26+$0x10]  }
0xca: {  	s28 =	simm.s32 $0x0;
	s29 =	simm.s32 $0x1A7F0;
	v22 =	vsub.f32 v15, v22;
	v18 =	vld [tilespmem:s26+$0x20]  }
.LBB2_14:
0xcb: {  	v14 =	vld [tilespmem:s29+$0x0];
	s28 =	sadd.s32 $0x8, s28;
	v12 =	vmul.f32 v12, v12;
	v15 =	vsub.f32 v21, v16  }
0xcc: {  	v16 =	vld [tilespmem:s29+$0xFFFFFFA0];
	p0 =	slt.u32 s28, $0xF8;
	v17 =	vmul.f32 v22, v22;
	v8 =	vsub.f32 v20, v8  }
0xcd: {  	v20 =	vld [tilespmem:s29+$0xFFFFFFB0];
	v5 =	vadd.f32 v12, v5;
	v12 =	vmul.f32 v15, v15;
	v13 =	vsub.f32 v19, v13  }
0xce: {  	v15 =	vld [tilespmem:s29+$0xFFFFFFC0];
	v6 =	vadd.f32 v17, v6;
	v8 =	vmul.f32 v8, v8;
	v9 =	vsub.f32 v11, v9  }
0xcf: {  	v11 =	vld [tilespmem:s29+$0xFFFFFFD0];
	v4 =	vadd.f32 v12, v4;
	v12 =	vmul.f32 v13, v13;
	v10 =	vsub.f32 v18, v10  }
0xd0: {  	v17 =	vld [tilespmem:s29+$0xFFFFFFE0];
	v3 =	vadd.f32 v8, v3;
	v8 =	vmul.f32 v9, v9  }
0xd1: {  	v18 =	vld [tilespmem:s29+$0xFFFFFFF0];
	v0 =	vadd.f32 v12, v0;
	v9 =	vmul.f32 v10, v10  }
0xd2: {  	v10 =	vld [tilespmem:s29+$0xFFFFFF90];
	v2 =	vadd.f32 v8, v2  }
0xd3: {  	s26 =	sadd.s32 $0x100, s26;
	v12 =	vld.idx.msk [tilespmem:v14+s3+$0x0], $0xffff;
	v1 =	vadd.f32 v9, v1  }
0xd4: {  	v14 =	vld [tilespmem:s26+$0x30]  }
0xd5: {  	v22 =	vld.idx.msk [tilespmem:v16+s3+$0x0], $0xffff  }
0xd6: {  	v16 =	vld.idx.msk [tilespmem:v20+s3+$0x0], $0xffff  }
0xd7: {  	v8 =	vld.idx.msk [tilespmem:v15+s3+$0x0], $0xffff  }
0xd8: {  	v13 =	vld.idx.msk [tilespmem:v11+s3+$0x0], $0xffff  }
0xd9: {  	v9 =	vld.idx.msk [tilespmem:v17+s3+$0x0], $0xffff;
	v11 =	vsub.f32 v14, v12  }
0xda: {  	v12 =	vld.idx.msk [tilespmem:v10+s3+$0x0], $0xffff  }
0xdb: {  	v10 =	vld.idx.msk [tilespmem:v18+s3+$0x0], $0xffff;
	v11 =	vmul.f32 v11, v11  }
0xdc: {  	v14 =	vld [tilespmem:s26+$0xFFFFFFC0]  }
0xdd: {  	v15 =	vld [tilespmem:s26+$0xFFFFFFD0];
	v7 =	vadd.f32 v11, v7  }
.Ltmp6:
0xde: {  	v21 =	vld [tilespmem:s26+$0xFFFFFFE0];
	(pc) =	sbr.rel @p0 .LBB2_14-.Ltmp6, $4  }
0xdf: {  	v20 =	vld [tilespmem:s26+$0xFFFFFFF0]  }
0xe0: {  	v19 =	vld [tilespmem:s26+$0x0]  }
0xe1: {  	v12 =	vsub.f32 v14, v12;
	v11 =	vld [tilespmem:s26+$0x10]  }
0xe2: {  	s29 =	sadd.s32 $0x80, s29;
	v22 =	vsub.f32 v15, v22;
	v18 =	vld [tilespmem:s26+$0x20]  }
0xe3: {  	_ =	swait.ge [sflag:s22], $0x1000  }
0xe4: {  	[sflag:s22] =	ssyncset.done $0x0  }
0xe5: {  	s26 =	simm.s32 $0x1B770;
	[sflag:s22] =	ssyncadd.s32 $0xFFFFF000  }
0xe6: {  	v14 =	vld [tilespmem:s26+$0x0]  }
0xe7: {  	v15 =	vld [tilespmem:s26+$0xFFFFFFA0]  }
0xe8: {  	v17 =	vld [tilespmem:s26+$0xFFFFFFB0]  }
0xe9: {  	v23 =	vld [tilespmem:s26+$0xFFFFFFC0]  }
0xea: {  	v24 =	vld [tilespmem:s26+$0xFFFFFFD0]  }
0xeb: {  	v25 =	vld [tilespmem:s26+$0xFFFFFFE0]  }
0xec: {  	v26 =	vld [tilespmem:s26+$0xFFFFFFF0]  }
0xed: {  	v59 =	vmul.f32 v12, v12;
	v60 =	vmul.f32 v22, v22;
	v27 =	vld [tilespmem:s26+$0xFFFFFF90];
	s26 =	simm.s32 $0x1C7F0  }
0xee: {  	v16 =	vsub.f32 v21, v16;
	v20 =	vsub.f32 v20, v8;
	v29 =	vld [tilespmem:s26+$0x0]  }
0xef: {  	v8 =	vadd.f32 v59, v5;
	v5 =	vadd.f32 v60, v6;
	v62 =	vld [tilespmem:s26+$0xFFFFFF90]  }
0xf0: {  	v6 =	vmul.f32 v16, v16;
	v9 =	vsub.f32 v11, v9;
	v11 =	vmul.f32 v20, v20;
	v20 =	vld [tilespmem:s26+$0xFFFFFFA0]  }
0xf1: {  	v16 =	vld [tilespmem:s26+$0xFFFFFFB0]  }
0xf2: {  	v4 =	vadd.f32 v6, v4;
	v9 =	vmul.f32 v9, v9;
	v6 =	vadd.f32 v11, v3;
	v3 =	vld [tilespmem:s26+$0xFFFFFFD0]  }
0xf3: {  	v28 =	vld.idx.msk [tilespmem:v14+s3+$0x0], $0xffff  }
0xf4: {  	v9 =	vadd.f32 v9, v2;
	v2 =	vld [tilespmem:s26+$0xFFFFFFE0]  }
0xf5: {  	v30 =	vld.idx.msk [tilespmem:v15+s3+$0x0], $0xffff  }
0xf6: {  	v17 =	vld.idx.msk [tilespmem:v17+s3+$0x0], $0xffff  }
0xf7: {  	v19 =	vsub.f32 v19, v13;
	v61 =	vld.idx.msk [tilespmem:v27+s3+$0x0], $0xffff  }
0xf8: {  	v10 =	vsub.f32 v18, v10;
	v15 =	vld.idx.msk [tilespmem:v23+s3+$0x0], $0xffff;
	v18 =	vsub.f32 v29, v28  }
0xf9: {  	v19 =	vmul.f32 v19, v19;
	v14 =	vld.idx.msk [tilespmem:v24+s3+$0x0], $0xffff  }
0xfa: {  	v11 =	vmul.f32 v10, v10;
	v63 =	vmul.f32 v18, v18;
	v18 =	vld [tilespmem:s26+$0xFFFFFFC0]  }
0xfb: {  	v10 =	vadd.f32 v19, v0;
	v12 =	vld.idx.msk [tilespmem:v25+s3+$0x0], $0xffff  }
0xfc: {  	v11 =	vadd.f32 v11, v1;
	v13 =	vld.idx.msk [tilespmem:v26+s3+$0x0], $0xffff;
	v19 =	vsub.f32 v62, v61  }
0xfd: {  	s28 =	simm.s32 $0x0;
	s29 =	simm.s32 $0x1B7F0;
	v1 =	vsub.f32 v20, v30;
	v0 =	vadd.f32 v63, v7;
	v7 =	vld [tilespmem:s26+$0xFFFFFFF0]  }
.LBB2_16:
0xfe: {  	v20 =	vld [tilespmem:s29+$0x0];
	s28 =	sadd.s32 $0x8, s28;
	v19 =	vmul.f32 v19, v19;
	v16 =	vsub.f32 v16, v17  }
0xff: {  	v17 =	vld [tilespmem:s29+$0xFFFFFFA0];
	p0 =	slt.u32 s28, $0xF8;
	v1 =	vmul.f32 v1, v1;
	v15 =	vsub.f32 v18, v15  }
0x100: {  	v18 =	vld [tilespmem:s29+$0xFFFFFFB0];
	v8 =	vadd.f32 v19, v8;
	v16 =	vmul.f32 v16, v16;
	v3 =	vsub.f32 v3, v14  }
0x101: {  	v14 =	vld [tilespmem:s29+$0xFFFFFFC0];
	v5 =	vadd.f32 v1, v5;
	v1 =	vmul.f32 v15, v15;
	v2 =	vsub.f32 v2, v12  }
0x102: {  	v12 =	vld [tilespmem:s29+$0xFFFFFFD0];
	v4 =	vadd.f32 v16, v4;
	v3 =	vmul.f32 v3, v3;
	v7 =	vsub.f32 v7, v13  }
0x103: {  	v13 =	vld [tilespmem:s29+$0xFFFFFFE0];
	v6 =	vadd.f32 v1, v6;
	v1 =	vmul.f32 v2, v2  }
0x104: {  	v2 =	vld [tilespmem:s29+$0xFFFFFFF0];
	v10 =	vadd.f32 v3, v10;
	v3 =	vmul.f32 v7, v7  }
0x105: {  	v7 =	vld [tilespmem:s29+$0xFFFFFF90];
	v9 =	vadd.f32 v1, v9  }
0x106: {  	s26 =	sadd.s32 $0x100, s26;
	v1 =	vld.idx.msk [tilespmem:v20+s3+$0x0], $0xffff;
	v11 =	vadd.f32 v3, v11  }
0x107: {  	v3 =	vld [tilespmem:s26+$0x0]  }
0x108: {  	v20 =	vld.idx.msk [tilespmem:v17+s3+$0x0], $0xffff  }
0x109: {  	v17 =	vld.idx.msk [tilespmem:v18+s3+$0x0], $0xffff  }
0x10a: {  	v15 =	vld.idx.msk [tilespmem:v14+s3+$0x0], $0xffff  }
0x10b: {  	v14 =	vld.idx.msk [tilespmem:v12+s3+$0x0], $0xffff  }
0x10c: {  	v12 =	vld.idx.msk [tilespmem:v13+s3+$0x0], $0xffff;
	v1 =	vsub.f32 v3, v1  }
0x10d: {  	v7 =	vld.idx.msk [tilespmem:v7+s3+$0x0], $0xffff  }
0x10e: {  	v13 =	vld.idx.msk [tilespmem:v2+s3+$0x0], $0xffff;
	v1 =	vmul.f32 v1, v1  }
0x10f: {  	v2 =	vld [tilespmem:s26+$0xFFFFFF90]  }
0x110: {  	v21 =	vld [tilespmem:s26+$0xFFFFFFA0];
	v0 =	vadd.f32 v1, v0  }
.Ltmp7:
0x111: {  	v16 =	vld [tilespmem:s26+$0xFFFFFFB0];
	(pc) =	sbr.rel @p0 .LBB2_16-.Ltmp7, $4  }
0x112: {  	v18 =	vld [tilespmem:s26+$0xFFFFFFC0]  }
0x113: {  	v3 =	vld [tilespmem:s26+$0xFFFFFFD0]  }
0x114: {  	v19 =	vsub.f32 v2, v7;
	v2 =	vld [tilespmem:s26+$0xFFFFFFE0]  }
0x115: {  	s29 =	sadd.s32 $0x80, s29;
	v1 =	vsub.f32 v21, v20;
	v7 =	vld [tilespmem:s26+$0xFFFFFFF0]  }
0x116: {  	_ = 	snop  }
0x117: {  	v19 =	vmul.f32 v19, v19  }
0x118: {  	v16 =	vsub.f32 v16, v17;
	v15 =	vsub.f32 v18, v15  }
0x119: {  	v62 =	vmul.f32 v1, v1;
	v1 =	vadd.f32 v19, v8;
	v3 =	vsub.f32 v3, v14  }
0x11a: {  	v8 =	vmul.f32 v16, v16;
	v12 =	vsub.f32 v2, v12;
	v7 =	vsub.f32 v7, v13  }
0x11b: {  	v2 =	vadd.f32 v62, v5;
	v5 =	vmul.f32 v15, v15;
	v63 =	vmul.f32 v3, v3  }
0x11c: {  	s26 =	simm.s32 $0x0;
	s28 =	simm.s32 $0x80;
	v3 =	vadd.f32 v8, v4;
	v8 =	vmul.f32 v12, v12;
	v7 =	vmul.f32 v7, v7  }
0x11d: {  	[tilespmem:s26], [sflag:$0x1] =	stream.strided.gather [hbm4b:s9+s17], $0x18700, s18, s17, $0x38;
	v4 =	vadd.f32 v5, v6;
	v5 =	vadd.f32 v63, v10;
	[tilespmem:$0x1E780] =	vst v63  }
0x11e: {  	s30 =	sadd.s32 $0x0, s10;
	s29 =	simm.s32 $0x1C800;
	s26 =	simm.s32 $0x1C700;
	v6 =	vadd.f32 v8, v9;
	v7 =	vadd.f32 v7, v11  }
.LBB2_18:
0x11f: {  	[tilespmem:s26], [sflag:$0x2] =	stream.linear.gather [hbm4b:s30+s3], $0x80, $0x38;
	[tilespmem:$0x1E780] =	vst v63  }
0x120: {  	s30 =	smov.u32 s28;
	s26 =	smov.u32 s29;
	p0 =	sne.s32 s28, $0xF80  }
.Ltmp8:
0x121: {  	s28 =	sadd.s32 $0x80, s28;
	(pc) =	sbr.rel @p0 .LBB2_18-.Ltmp8, $2  }
0x122: {  	_ =	sdelay $0x2  }
0x123: {  	s29 =	sadd.s32 $0x100, s29;
	s30 =	sadd.s32 s30, s10  }
0x124: {  	[tilespmem:s26], [sflag:$0x2] =	stream.linear.gather [hbm4b:s30+s3], $0x80, $0x38;
	[tilespmem:$0x1E780] =	vst v63  }
0x125: {  	_ =	swait.ge [sflag:s19], $0x18700  }
0x126: {  	s26 =	simm.s32 $0x1C780;
	s28 =	simm.s32 $0x80;
	[sflag:s19] =	ssyncset.done $0x0  }
0x127: {  	s30 =	sadd.s32 $0x0, s11;
	s29 =	simm.s32 $0x1C880;
	[sflag:s19] =	ssyncadd.s32 $0xFFFE7900  }
.LBB2_20:
0x128: {  	[tilespmem:s26], [sflag:$0x3] =	stream.linear.gather [hbm4b:s30+s3], $0x80, $0x38;
	[tilespmem:$0x1E780] =	vst v63  }
0x129: {  	s30 =	smov.u32 s28;
	s26 =	smov.u32 s29;
	p0 =	sne.s32 s28, $0xF80  }
.Ltmp9:
0x12a: {  	s28 =	sadd.s32 $0x80, s28;
	(pc) =	sbr.rel @p0 .LBB2_20-.Ltmp9, $2  }
0x12b: {  	_ =	sdelay $0x2  }
0x12c: {  	s29 =	sadd.s32 $0x100, s29;
	s30 =	sadd.s32 s30, s11  }
0x12d: {  	[tilespmem:s26], [sflag:$0x3] =	stream.linear.gather [hbm4b:s30+s3], $0x80, $0x38;
	[tilespmem:$0x1E780] =	vst v63  }
0x12e: {  	_ =	swait.ge [sflag:s21], $0x1000  }
0x12f: {  	[sflag:s21] =	ssyncset.done $0x0  }
0x130: {  	s31 =	simm.s32 $0x18740;
	[sflag:s21] =	ssyncadd.s32 $0xFFFFF000  }
0x131: {  	v8 =	vld [tilespmem:s31+$0x30]  }
0x132: {  	v9 =	vld [tilespmem:s31+$0xFFFFFFD0]  }
0x133: {  	v10 =	vld [tilespmem:s31+$0xFFFFFFE0]  }
0x134: {  	v11 =	vld [tilespmem:s31+$0xFFFFFFF0]  }
0x135: {  	v13 =	vld [tilespmem:s31+$0x0]  }
0x136: {  	v14 =	vld [tilespmem:s31+$0x10]  }
0x137: {  	v15 =	vld [tilespmem:s31+$0x20]  }
0x138: {  	s26 =	simm.s32 $0x1C740;
	v16 =	vld [tilespmem:s31+$0xFFFFFFC0]  }
0x139: {  	v18 =	vld [tilespmem:s26+$0x30]  }
0x13a: {  	v19 =	vld [tilespmem:s26+$0xFFFFFFC0]  }
0x13b: {  	v17 =	vld.idx.msk [tilespmem:v8+s3+$0x0], $0xffff  }
0x13c: {  	v20 =	vld.idx.msk [tilespmem:v9+s3+$0x0], $0xffff  }
0x13d: {  	v12 =	vld.idx.msk [tilespmem:v10+s3+$0x0], $0xffff  }
0x13e: {  	v11 =	vld.idx.msk [tilespmem:v11+s3+$0x0], $0xffff  }
0x13f: {  	v10 =	vld.idx.msk [tilespmem:v13+s3+$0x0], $0xffff  }
0x140: {  	v8 =	vld.idx.msk [tilespmem:v14+s3+$0x0], $0xffff  }
0x141: {  	v14 =	vld.idx.msk [tilespmem:v16+s3+$0x0], $0xffff  }
0x142: {  	v9 =	vld.idx.msk [tilespmem:v15+s3+$0x0], $0xffff  }
0x143: {  	v13 =	vsub.f32 v18, v17;
	v18 =	vld [tilespmem:s26+$0xFFFFFFD0]  }
0x144: {  	v17 =	vld [tilespmem:s26+$0xFFFFFFE0]  }
0x145: {  	v16 =	vld [tilespmem:s26+$0xFFFFFFF0];
	v13 =	vmul.f32 v13, v13  }
0x146: {  	v15 =	vld [tilespmem:s26+$0x0]  }
0x147: {  	v19 =	vsub.f32 v19, v14;
	v0 =	vadd.f32 v13, v0;
	v13 =	vld [tilespmem:s26+$0x10]  }
0x148: {  	s28 =	simm.s32 $0x0;
	s29 =	simm.s32 $0x187C0;
	v14 =	vld [tilespmem:s26+$0x20];
	v18 =	vsub.f32 v18, v20  }
.LBB2_22:
0x149: {  	v20 =	vld [tilespmem:s29+$0x30];
	s28 =	sadd.s32 $0x8, s28;
	v19 =	vmul.f32 v19, v19;
	v12 =	vsub.f32 v17, v12  }
0x14a: {  	v17 =	vld [tilespmem:s29+$0xFFFFFFD0];
	p0 =	slt.u32 s28, $0xF8;
	v18 =	vmul.f32 v18, v18;
	v11 =	vsub.f32 v16, v11  }
0x14b: {  	v16 =	vld [tilespmem:s29+$0xFFFFFFE0];
	v1 =	vadd.f32 v19, v1;
	v12 =	vmul.f32 v12, v12;
	v10 =	vsub.f32 v15, v10  }
0x14c: {  	v15 =	vld [tilespmem:s29+$0xFFFFFFF0];
	v2 =	vadd.f32 v18, v2;
	v11 =	vmul.f32 v11, v11;
	v8 =	vsub.f32 v13, v8  }
0x14d: {  	v13 =	vld [tilespmem:s29+$0x0];
	v3 =	vadd.f32 v12, v3;
	v10 =	vmul.f32 v10, v10;
	v9 =	vsub.f32 v14, v9  }
0x14e: {  	v14 =	vld [tilespmem:s29+$0x10];
	v4 =	vadd.f32 v11, v4;
	v8 =	vmul.f32 v8, v8  }
0x14f: {  	v18 =	vld [tilespmem:s29+$0x20];
	v5 =	vadd.f32 v10, v5;
	v9 =	vmul.f32 v9, v9  }
0x150: {  	v19 =	vld [tilespmem:s29+$0xFFFFFFC0];
	v6 =	vadd.f32 v8, v6  }
0x151: {  	s26 =	sadd.s32 $0x100, s26;
	v20 =	vld.idx.msk [tilespmem:v20+s3+$0x0], $0xffff;
	v7 =	vadd.f32 v9, v7  }
0x152: {  	v9 =	vld [tilespmem:s26+$0x30]  }
0x153: {  	v21 =	vld.idx.msk [tilespmem:v17+s3+$0x0], $0xffff  }
0x154: {  	v12 =	vld.idx.msk [tilespmem:v16+s3+$0x0], $0xffff  }
0x155: {  	v11 =	vld.idx.msk [tilespmem:v15+s3+$0x0], $0xffff  }
0x156: {  	v10 =	vld.idx.msk [tilespmem:v13+s3+$0x0], $0xffff  }
0x157: {  	v8 =	vld.idx.msk [tilespmem:v14+s3+$0x0], $0xffff;
	v13 =	vsub.f32 v9, v20  }
0x158: {  	v14 =	vld.idx.msk [tilespmem:v19+s3+$0x0], $0xffff  }
0x159: {  	v9 =	vld.idx.msk [tilespmem:v18+s3+$0x0], $0xffff;
	v13 =	vmul.f32 v13, v13  }
0x15a: {  	v18 =	vld [tilespmem:s26+$0xFFFFFFC0]  }
0x15b: {  	v20 =	vld [tilespmem:s26+$0xFFFFFFD0];
	v0 =	vadd.f32 v13, v0  }
.Ltmp10:
0x15c: {  	v17 =	vld [tilespmem:s26+$0xFFFFFFE0];
	(pc) =	sbr.rel @p0 .LBB2_22-.Ltmp10, $4  }
0x15d: {  	v16 =	vld [tilespmem:s26+$0xFFFFFFF0]  }
0x15e: {  	v15 =	vld [tilespmem:s26+$0x0]  }
0x15f: {  	v19 =	vsub.f32 v18, v14;
	v13 =	vld [tilespmem:s26+$0x10]  }
0x160: {  	s29 =	sadd.s32 $0x80, s29;
	v18 =	vsub.f32 v20, v21;
	v14 =	vld [tilespmem:s26+$0x20]  }
0x161: {  	_ = 	snop  }
0x162: {  	v19 =	vmul.f32 v19, v19  }
0x163: {  	v12 =	vsub.f32 v17, v12;
	v11 =	vsub.f32 v16, v11  }
0x164: {  	v61 =	vmul.f32 v18, v18;
	v1 =	vadd.f32 v19, v1;
	v10 =	vsub.f32 v15, v10  }
0x165: {  	v12 =	vmul.f32 v12, v12;
	v8 =	vsub.f32 v13, v8;
	v9 =	vsub.f32 v14, v9  }
0x166: {  	v2 =	vadd.f32 v61, v2;
	v11 =	vmul.f32 v11, v11;
	v10 =	vmul.f32 v10, v10  }
0x167: {  	v3 =	vadd.f32 v12, v3;
	v62 =	vmul.f32 v8, v8;
	v63 =	vmul.f32 v9, v9  }
0x168: {  	s26 =	simm.s32 $0x1C700;
	v8 =	vadd.f32 v11, v4;
	v9 =	vadd.f32 v10, v5  }
0x169: {  	s28 =	simm.s32 $0x80;
	s30 =	sadd.s32 $0x0, s12;
	s29 =	simm.s32 $0x1C800;
	v10 =	vadd.f32 v62, v6;
	v7 =	vadd.f32 v63, v7  }
.LBB2_24:
0x16a: {  	[tilespmem:s26], [sflag:$0x2] =	stream.linear.gather [hbm4b:s30+s3], $0x80, $0x38;
	[tilespmem:$0x1E780] =	vst v63  }
0x16b: {  	s30 =	smov.u32 s28;
	s26 =	smov.u32 s29;
	p0 =	sne.s32 s28, $0xF80  }
.Ltmp11:
0x16c: {  	s28 =	sadd.s32 $0x80, s28;
	(pc) =	sbr.rel @p0 .LBB2_24-.Ltmp11, $2  }
0x16d: {  	_ =	sdelay $0x2  }
0x16e: {  	s29 =	sadd.s32 $0x100, s29;
	s30 =	sadd.s32 s30, s12  }
0x16f: {  	[tilespmem:s26], [sflag:$0x2] =	stream.linear.gather [hbm4b:s30+s3], $0x80, $0x38;
	[tilespmem:$0x1E780] =	vst v63  }
0x170: {  	_ =	swait.ge [sflag:s22], $0x1000  }
0x171: {  	[sflag:s22] =	ssyncset.done $0x0  }
0x172: {  	s31 =	simm.s32 $0x19770;
	[sflag:s22] =	ssyncadd.s32 $0xFFFFF000  }
0x173: {  	v4 =	vld [tilespmem:s31+$0x0]  }
0x174: {  	v5 =	vld [tilespmem:s31+$0xFFFFFFA0]  }
0x175: {  	v6 =	vld [tilespmem:s31+$0xFFFFFFB0]  }
0x176: {  	v11 =	vld [tilespmem:s31+$0xFFFFFFC0]  }
0x177: {  	v12 =	vld [tilespmem:s31+$0xFFFFFFD0]  }
0x178: {  	v14 =	vld [tilespmem:s31+$0xFFFFFFE0]  }
0x179: {  	v15 =	vld [tilespmem:s31+$0xFFFFFFF0]  }
0x17a: {  	s26 =	simm.s32 $0x1C7F0;
	v16 =	vld [tilespmem:s31+$0xFFFFFF90]  }
0x17b: {  	v18 =	vld [tilespmem:s26+$0x0]  }
0x17c: {  	v19 =	vld [tilespmem:s26+$0xFFFFFF90]  }
0x17d: {  	v17 =	vld.idx.msk [tilespmem:v4+s3+$0x0], $0xffff  }
0x17e: {  	v20 =	vld.idx.msk [tilespmem:v5+s3+$0x0], $0xffff  }
0x17f: {  	v13 =	vld.idx.msk [tilespmem:v6+s3+$0x0], $0xffff  }
0x180: {  	v5 =	vld.idx.msk [tilespmem:v11+s3+$0x0], $0xffff  }
0x181: {  	v12 =	vld.idx.msk [tilespmem:v12+s3+$0x0], $0xffff  }
0x182: {  	v4 =	vld.idx.msk [tilespmem:v14+s3+$0x0], $0xffff  }
0x183: {  	v14 =	vld.idx.msk [tilespmem:v16+s3+$0x0], $0xffff  }
0x184: {  	v6 =	vld.idx.msk [tilespmem:v15+s3+$0x0], $0xffff  }
0x185: {  	v11 =	vsub.f32 v18, v17;
	v18 =	vld [tilespmem:s26+$0xFFFFFFA0]  }
0x186: {  	v17 =	vld [tilespmem:s26+$0xFFFFFFB0]  }
0x187: {  	v16 =	vld [tilespmem:s26+$0xFFFFFFC0];
	v11 =	vmul.f32 v11, v11  }
0x188: {  	v15 =	vld [tilespmem:s26+$0xFFFFFFD0]  }
0x189: {  	v19 =	vsub.f32 v19, v14;
	v11 =	vadd.f32 v11, v0;
	v0 =	vld [tilespmem:s26+$0xFFFFFFE0]  }
0x18a: {  	s28 =	simm.s32 $0x0;
	s29 =	simm.s32 $0x197F0;
	v14 =	vld [tilespmem:s26+$0xFFFFFFF0];
	v18 =	vsub.f32 v18, v20  }
.LBB2_26:
0x18b: {  	v20 =	vld [tilespmem:s29+$0x0];
	s28 =	sadd.s32 $0x8, s28;
	v19 =	vmul.f32 v19, v19;
	v13 =	vsub.f32 v17, v13  }
0x18c: {  	v17 =	vld [tilespmem:s29+$0xFFFFFFA0];
	p0 =	slt.u32 s28, $0xF8;
	v18 =	vmul.f32 v18, v18;
	v5 =	vsub.f32 v16, v5  }
0x18d: {  	v16 =	vld [tilespmem:s29+$0xFFFFFFB0];
	v1 =	vadd.f32 v19, v1;
	v13 =	vmul.f32 v13, v13;
	v12 =	vsub.f32 v15, v12  }
0x18e: {  	v15 =	vld [tilespmem:s29+$0xFFFFFFC0];
	v2 =	vadd.f32 v18, v2;
	v5 =	vmul.f32 v5, v5;
	v0 =	vsub.f32 v0, v4  }
0x18f: {  	v4 =	vld [tilespmem:s29+$0xFFFFFFD0];
	v3 =	vadd.f32 v13, v3;
	v12 =	vmul.f32 v12, v12;
	v6 =	vsub.f32 v14, v6  }
0x190: {  	v14 =	vld [tilespmem:s29+$0xFFFFFFE0];
	v8 =	vadd.f32 v5, v8;
	v0 =	vmul.f32 v0, v0  }
0x191: {  	v18 =	vld [tilespmem:s29+$0xFFFFFFF0];
	v9 =	vadd.f32 v12, v9;
	v5 =	vmul.f32 v6, v6  }
0x192: {  	v6 =	vld [tilespmem:s29+$0xFFFFFF90];
	v10 =	vadd.f32 v0, v10  }
0x193: {  	s26 =	sadd.s32 $0x100, s26;
	v0 =	vld.idx.msk [tilespmem:v20+s3+$0x0], $0xffff;
	v7 =	vadd.f32 v5, v7  }
0x194: {  	v19 =	vld [tilespmem:s26+$0x0]  }
0x195: {  	v20 =	vld.idx.msk [tilespmem:v17+s3+$0x0], $0xffff  }
0x196: {  	v13 =	vld.idx.msk [tilespmem:v16+s3+$0x0], $0xffff  }
0x197: {  	v5 =	vld.idx.msk [tilespmem:v15+s3+$0x0], $0xffff  }
0x198: {  	v12 =	vld.idx.msk [tilespmem:v4+s3+$0x0], $0xffff  }
0x199: {  	v4 =	vld.idx.msk [tilespmem:v14+s3+$0x0], $0xffff;
	v0 =	vsub.f32 v19, v0  }
0x19a: {  	v14 =	vld.idx.msk [tilespmem:v6+s3+$0x0], $0xffff  }
0x19b: {  	v6 =	vld.idx.msk [tilespmem:v18+s3+$0x0], $0xffff;
	v0 =	vmul.f32 v0, v0  }
0x19c: {  	v18 =	vld [tilespmem:s26+$0xFFFFFF90]  }
0x19d: {  	v21 =	vld [tilespmem:s26+$0xFFFFFFA0];
	v11 =	vadd.f32 v0, v11  }
.Ltmp12:
0x19e: {  	v17 =	vld [tilespmem:s26+$0xFFFFFFB0];
	(pc) =	sbr.rel @p0 .LBB2_26-.Ltmp12, $4  }
0x19f: {  	v16 =	vld [tilespmem:s26+$0xFFFFFFC0]  }
0x1a0: {  	v15 =	vld [tilespmem:s26+$0xFFFFFFD0]  }
0x1a1: {  	v19 =	vsub.f32 v18, v14;
	v0 =	vld [tilespmem:s26+$0xFFFFFFE0]  }
0x1a2: {  	s29 =	sadd.s32 $0x80, s29;
	v18 =	vsub.f32 v21, v20;
	v14 =	vld [tilespmem:s26+$0xFFFFFFF0]  }
0x1a3: {  	_ = 	snop  }
0x1a4: {  	v19 =	vmul.f32 v19, v19  }
0x1a5: {  	v13 =	vsub.f32 v17, v13;
	v16 =	vsub.f32 v16, v5  }
0x1a6: {  	v60 =	vmul.f32 v18, v18;
	v5 =	vadd.f32 v19, v1;
	v1 =	vsub.f32 v15, v12  }
0x1a7: {  	v61 =	vmul.f32 v13, v13;
	v0 =	vsub.f32 v0, v4;
	v62 =	vsub.f32 v14, v6  }
0x1a8: {  	v6 =	vadd.f32 v60, v2;
	v2 =	vmul.f32 v16, v16;
	v1 =	vmul.f32 v1, v1  }
0x1a9: {  	v4 =	vadd.f32 v61, v3;
	v63 =	vmul.f32 v0, v0;
	v13 =	vmul.f32 v62, v62  }
0x1aa: {  	s26 =	simm.s32 $0x1C780;
	v3 =	vadd.f32 v2, v8;
	v0 =	vadd.f32 v1, v9  }
0x1ab: {  	s28 =	simm.s32 $0x80;
	s30 =	sadd.s32 $0x0, s13;
	s29 =	simm.s32 $0x1C880;
	v2 =	vadd.f32 v63, v10;
	v1 =	vadd.f32 v13, v7  }
.LBB2_28:
0x1ac: {  	[tilespmem:s26], [sflag:$0x3] =	stream.linear.gather [hbm4b:s30+s3], $0x80, $0x38;
	[tilespmem:$0x1E780] =	vst v63  }
0x1ad: {  	s30 =	smov.u32 s28;
	s26 =	smov.u32 s29;
	p0 =	sne.s32 s28, $0xF80  }
.Ltmp13:
0x1ae: {  	s28 =	sadd.s32 $0x80, s28;
	(pc) =	sbr.rel @p0 .LBB2_28-.Ltmp13, $2  }
0x1af: {  	_ =	sdelay $0x2  }
0x1b0: {  	s29 =	sadd.s32 $0x100, s29;
	s30 =	sadd.s32 s30, s13  }
0x1b1: {  	[tilespmem:s26], [sflag:$0x3] =	stream.linear.gather [hbm4b:s30+s3], $0x80, $0x38;
	[tilespmem:$0x1E780] =	vst v63  }
0x1b2: {  	_ =	swait.ge [sflag:s21], $0x1000  }
0x1b3: {  	[sflag:s21] =	ssyncset.done $0x0  }
0x1b4: {  	s31 =	simm.s32 $0x1A770;
	[sflag:s21] =	ssyncadd.s32 $0xFFFFF000  }
0x1b5: {  	v7 =	vld [tilespmem:s31+$0x0]  }
0x1b6: {  	v8 =	vld [tilespmem:s31+$0xFFFFFFA0]  }
0x1b7: {  	v9 =	vld [tilespmem:s31+$0xFFFFFFB0]  }
0x1b8: {  	v10 =	vld [tilespmem:s31+$0xFFFFFFC0]  }
0x1b9: {  	v12 =	vld [tilespmem:s31+$0xFFFFFFD0]  }
0x1ba: {  	v13 =	vld [tilespmem:s31+$0xFFFFFFE0]  }
0x1bb: {  	v15 =	vld [tilespmem:s31+$0xFFFFFFF0]  }
0x1bc: {  	s26 =	simm.s32 $0x1C740;
	v17 =	vld [tilespmem:s31+$0xFFFFFF90]  }
0x1bd: {  	v18 =	vld [tilespmem:s26+$0x30]  }
0x1be: {  	v22 =	vld [tilespmem:s26+$0xFFFFFFE0]  }
0x1bf: {  	v7 =	vld.idx.msk [tilespmem:v7+s3+$0x0], $0xffff  }
0x1c0: {  	v19 =	vld.idx.msk [tilespmem:v8+s3+$0x0], $0xffff  }
0x1c1: {  	v16 =	vld.idx.msk [tilespmem:v9+s3+$0x0], $0xffff  }
0x1c2: {  	v14 =	vld.idx.msk [tilespmem:v10+s3+$0x0], $0xffff  }
0x1c3: {  	v8 =	vld.idx.msk [tilespmem:v13+s3+$0x0], $0xffff  }
0x1c4: {  	v10 =	vld.idx.msk [tilespmem:v17+s3+$0x0], $0xffff  }
0x1c5: {  	v9 =	vld.idx.msk [tilespmem:v15+s3+$0x0], $0xffff  }
0x1c6: {  	v13 =	vld [tilespmem:s26+$0xFFFFFFC0]  }
0x1c7: {  	v15 =	vld [tilespmem:s26+$0xFFFFFFD0]  }
0x1c8: {  	v21 =	vld [tilespmem:s26+$0xFFFFFFF0];
	v7 =	vsub.f32 v18, v7  }
0x1c9: {  	v20 =	vld [tilespmem:s26+$0x0]  }
0x1ca: {  	v12 =	vld.idx.msk [tilespmem:v12+s3+$0x0], $0xffff;
	v7 =	vmul.f32 v7, v7  }
0x1cb: {  	v18 =	vld [tilespmem:s26+$0x10];
	v10 =	vsub.f32 v13, v10  }
0x1cc: {  	s28 =	simm.s32 $0x0;
	s29 =	simm.s32 $0x1A7F0;
	v7 =	vadd.f32 v7, v11;
	v11 =	vsub.f32 v15, v19;
	v19 =	vld [tilespmem:s26+$0x20]  }
.LBB2_30:
0x1cd: {  	v13 =	vld [tilespmem:s29+$0x0];
	s28 =	sadd.s32 $0x8, s28;
	v10 =	vmul.f32 v10, v10;
	v15 =	vsub.f32 v22, v16  }
0x1ce: {  	v16 =	vld [tilespmem:s29+$0xFFFFFFA0];
	p0 =	slt.u32 s28, $0xF8;
	v11 =	vmul.f32 v11, v11;
	v14 =	vsub.f32 v21, v14  }
0x1cf: {  	v17 =	vld [tilespmem:s29+$0xFFFFFFB0];
	v5 =	vadd.f32 v10, v5;
	v10 =	vmul.f32 v15, v15;
	v12 =	vsub.f32 v20, v12  }
0x1d0: {  	v15 =	vld [tilespmem:s29+$0xFFFFFFC0];
	v6 =	vadd.f32 v11, v6;
	v11 =	vmul.f32 v14, v14;
	v8 =	vsub.f32 v18, v8  }
0x1d1: {  	v18 =	vld [tilespmem:s29+$0xFFFFFFD0];
	v4 =	vadd.f32 v10, v4;
	v10 =	vmul.f32 v12, v12;
	v9 =	vsub.f32 v19, v9  }
0x1d2: {  	v19 =	vld [tilespmem:s29+$0xFFFFFFE0];
	v3 =	vadd.f32 v11, v3;
	v8 =	vmul.f32 v8, v8  }
0x1d3: {  	v11 =	vld [tilespmem:s29+$0xFFFFFFF0];
	v0 =	vadd.f32 v10, v0;
	v9 =	vmul.f32 v9, v9  }
0x1d4: {  	v10 =	vld [tilespmem:s29+$0xFFFFFF90];
	v2 =	vadd.f32 v8, v2  }
0x1d5: {  	s26 =	sadd.s32 $0x100, s26;
	v13 =	vld.idx.msk [tilespmem:v13+s3+$0x0], $0xffff;
	v1 =	vadd.f32 v9, v1  }
0x1d6: {  	v9 =	vld [tilespmem:s26+$0x30]  }
0x1d7: {  	v23 =	vld.idx.msk [tilespmem:v16+s3+$0x0], $0xffff  }
0x1d8: {  	v16 =	vld.idx.msk [tilespmem:v17+s3+$0x0], $0xffff  }
0x1d9: {  	v14 =	vld.idx.msk [tilespmem:v15+s3+$0x0], $0xffff  }
0x1da: {  	v12 =	vld.idx.msk [tilespmem:v18+s3+$0x0], $0xffff  }
0x1db: {  	v8 =	vld.idx.msk [tilespmem:v19+s3+$0x0], $0xffff;
	v13 =	vsub.f32 v9, v13  }
0x1dc: {  	v10 =	vld.idx.msk [tilespmem:v10+s3+$0x0], $0xffff  }
0x1dd: {  	v9 =	vld.idx.msk [tilespmem:v11+s3+$0x0], $0xffff;
	v11 =	vmul.f32 v13, v13  }
0x1de: {  	v13 =	vld [tilespmem:s26+$0xFFFFFFC0]  }
0x1df: {  	v15 =	vld [tilespmem:s26+$0xFFFFFFD0];
	v7 =	vadd.f32 v11, v7  }
.Ltmp14:
0x1e0: {  	v22 =	vld [tilespmem:s26+$0xFFFFFFE0];
	(pc) =	sbr.rel @p0 .LBB2_30-.Ltmp14, $4  }
0x1e1: {  	v21 =	vld [tilespmem:s26+$0xFFFFFFF0]  }
0x1e2: {  	v20 =	vld [tilespmem:s26+$0x0]  }
0x1e3: {  	v10 =	vsub.f32 v13, v10;
	v18 =	vld [tilespmem:s26+$0x10]  }
0x1e4: {  	s29 =	sadd.s32 $0x80, s29;
	v11 =	vsub.f32 v15, v23;
	v19 =	vld [tilespmem:s26+$0x20]  }
0x1e5: {  	_ =	swait.ge [sflag:s22], $0x1000  }
0x1e6: {  	[sflag:s22] =	ssyncset.done $0x0  }
0x1e7: {  	s26 =	simm.s32 $0x1B770;
	[sflag:s22] =	ssyncadd.s32 $0xFFFFF000  }
0x1e8: {  	v13 =	vld [tilespmem:s26+$0x0]  }
0x1e9: {  	v15 =	vld [tilespmem:s26+$0xFFFFFFA0]  }
0x1ea: {  	v17 =	vld [tilespmem:s26+$0xFFFFFFB0]  }
0x1eb: {  	v23 =	vld [tilespmem:s26+$0xFFFFFFC0]  }
0x1ec: {  	v24 =	vld [tilespmem:s26+$0xFFFFFFD0]  }
0x1ed: {  	v25 =	vld [tilespmem:s26+$0xFFFFFFE0]  }
0x1ee: {  	v26 =	vld [tilespmem:s26+$0xFFFFFFF0]  }
0x1ef: {  	v16 =	vsub.f32 v22, v16;
	v27 =	vld [tilespmem:s26+$0xFFFFFF90];
	s26 =	simm.s32 $0x1C7F0  }
0x1f0: {  	v14 =	vsub.f32 v21, v14;
	v29 =	vld [tilespmem:s26+$0x0]  }
0x1f1: {  	v16 =	vmul.f32 v16, v16;
	v8 =	vsub.f32 v18, v8;
	v18 =	vld [tilespmem:s26+$0xFFFFFF90]  }
0x1f2: {  	v12 =	vsub.f32 v20, v12;
	v14 =	vmul.f32 v14, v14;
	v20 =	vld [tilespmem:s26+$0xFFFFFFA0]  }
0x1f3: {  	v9 =	vsub.f32 v19, v9;
	v4 =	vadd.f32 v16, v4;
	v16 =	vld [tilespmem:s26+$0xFFFFFFB0]  }
0x1f4: {  	v12 =	vmul.f32 v12, v12;
	v3 =	vadd.f32 v14, v3;
	v14 =	vld [tilespmem:s26+$0xFFFFFFC0]  }
0x1f5: {  	v9 =	vmul.f32 v9, v9;
	v28 =	vld.idx.msk [tilespmem:v13+s3+$0x0], $0xffff  }
0x1f6: {  	v63 =	vmul.f32 v8, v8;
	v8 =	vadd.f32 v12, v0;
	v12 =	vld [tilespmem:s26+$0xFFFFFFD0]  }
0x1f7: {  	v1 =	vadd.f32 v9, v1;
	v9 =	vld [tilespmem:s26+$0xFFFFFFE0]  }
0x1f8: {  	v30 =	vld.idx.msk [tilespmem:v15+s3+$0x0], $0xffff  }
0x1f9: {  	v62 =	vld.idx.msk [tilespmem:v27+s3+$0x0], $0xffff  }
0x1fa: {  	v17 =	vld.idx.msk [tilespmem:v17+s3+$0x0], $0xffff;
	v19 =	vsub.f32 v29, v28  }
0x1fb: {  	v60 =	vmul.f32 v10, v10;
	v61 =	vmul.f32 v11, v11;
	v15 =	vld.idx.msk [tilespmem:v23+s3+$0x0], $0xffff  }
0x1fc: {  	v13 =	vld.idx.msk [tilespmem:v24+s3+$0x0], $0xffff;
	v19 =	vmul.f32 v19, v19  }
0x1fd: {  	v5 =	vadd.f32 v60, v5;
	v6 =	vadd.f32 v61, v6;
	v10 =	vld.idx.msk [tilespmem:v25+s3+$0x0], $0xffff  }
0x1fe: {  	v11 =	vld.idx.msk [tilespmem:v26+s3+$0x0], $0xffff;
	v0 =	vadd.f32 v19, v7;
	v19 =	vsub.f32 v18, v62  }
0x1ff: {  	s28 =	simm.s32 $0x0;
	s29 =	simm.s32 $0x1B7F0;
	v2 =	vadd.f32 v63, v2;
	v18 =	vsub.f32 v20, v30;
	v7 =	vld [tilespmem:s26+$0xFFFFFFF0]  }
.LBB2_32:
0x200: {  	v20 =	vld [tilespmem:s29+$0x0];
	s28 =	sadd.s32 $0x8, s28;
	v19 =	vmul.f32 v19, v19;
	v16 =	vsub.f32 v16, v17  }
0x201: {  	v17 =	vld [tilespmem:s29+$0xFFFFFFA0];
	p0 =	slt.u32 s28, $0xF8;
	v18 =	vmul.f32 v18, v18;
	v14 =	vsub.f32 v14, v15  }
0x202: {  	v15 =	vld [tilespmem:s29+$0xFFFFFFB0];
	v5 =	vadd.f32 v19, v5;
	v16 =	vmul.f32 v16, v16;
	v12 =	vsub.f32 v12, v13  }
0x203: {  	v13 =	vld [tilespmem:s29+$0xFFFFFFC0];
	v6 =	vadd.f32 v18, v6;
	v14 =	vmul.f32 v14, v14;
	v9 =	vsub.f32 v9, v10  }
0x204: {  	v10 =	vld [tilespmem:s29+$0xFFFFFFD0];
	v4 =	vadd.f32 v16, v4;
	v12 =	vmul.f32 v12, v12;
	v7 =	vsub.f32 v7, v11  }
0x205: {  	v11 =	vld [tilespmem:s29+$0xFFFFFFE0];
	v3 =	vadd.f32 v14, v3;
	v9 =	vmul.f32 v9, v9  }
0x206: {  	v14 =	vld [tilespmem:s29+$0xFFFFFFF0];
	v8 =	vadd.f32 v12, v8;
	v7 =	vmul.f32 v7, v7  }
0x207: {  	v12 =	vld [tilespmem:s29+$0xFFFFFF90];
	v2 =	vadd.f32 v9, v2  }
0x208: {  	s26 =	sadd.s32 $0x100, s26;
	v9 =	vld.idx.msk [tilespmem:v20+s3+$0x0], $0xffff;
	v1 =	vadd.f32 v7, v1  }
0x209: {  	v7 =	vld [tilespmem:s26+$0x0]  }
0x20a: {  	v18 =	vld.idx.msk [tilespmem:v17+s3+$0x0], $0xffff  }
0x20b: {  	v17 =	vld.idx.msk [tilespmem:v15+s3+$0x0], $0xffff  }
0x20c: {  	v15 =	vld.idx.msk [tilespmem:v13+s3+$0x0], $0xffff  }
0x20d: {  	v13 =	vld.idx.msk [tilespmem:v10+s3+$0x0], $0xffff  }
0x20e: {  	v10 =	vld.idx.msk [tilespmem:v11+s3+$0x0], $0xffff;
	v7 =	vsub.f32 v7, v9  }
0x20f: {  	v9 =	vld.idx.msk [tilespmem:v12+s3+$0x0], $0xffff  }
0x210: {  	v11 =	vld.idx.msk [tilespmem:v14+s3+$0x0], $0xffff;
	v7 =	vmul.f32 v7, v7  }
0x211: {  	v19 =	vld [tilespmem:s26+$0xFFFFFF90]  }
0x212: {  	v20 =	vld [tilespmem:s26+$0xFFFFFFA0];
	v0 =	vadd.f32 v7, v0  }
.Ltmp15:
0x213: {  	v16 =	vld [tilespmem:s26+$0xFFFFFFB0];
	(pc) =	sbr.rel @p0 .LBB2_32-.Ltmp15, $4  }
0x214: {  	v14 =	vld [tilespmem:s26+$0xFFFFFFC0]  }
0x215: {  	v12 =	vld [tilespmem:s26+$0xFFFFFFD0]  }
0x216: {  	v19 =	vsub.f32 v19, v9;
	v9 =	vld [tilespmem:s26+$0xFFFFFFE0]  }
0x217: {  	s29 =	sadd.s32 $0x80, s29;
	v18 =	vsub.f32 v20, v18;
	v7 =	vld [tilespmem:s26+$0xFFFFFFF0]  }
0x218: {  	_ = 	snop  }
0x219: {  	v19 =	vmul.f32 v19, v19;
	v16 =	vsub.f32 v16, v17;
	v56 =	vmul.f32 v18, v18  }
0x21a: {  	v14 =	vsub.f32 v14, v15  }
0x21b: {  	v5 =	vadd.f32 v19, v5;
	v57 =	vmul.f32 v16, v16;
	v6 =	vadd.f32 v56, v6  }
0x21c: {  	v12 =	vsub.f32 v12, v13  }
0x21d: {  	v58 =	vmul.f32 v14, v14;
	v4 =	vadd.f32 v57, v4;
	v5 =	vadd.f32 v6, v5  }
0x21e: {  	v59 =	vsub.f32 v9, v10  }
0x21f: {  	v60 =	vmul.f32 v12, v12;
	v3 =	vadd.f32 v58, v3;
	v4 =	vadd.f32 v4, v5  }
0x220: {  	v61 =	vsub.f32 v7, v11  }
0x221: {  	v6 =	vmul.f32 v59, v59;
	v62 =	vadd.f32 v60, v8;
	v3 =	vadd.f32 v3, v4;
	_ =	sdelay $0x1  }
0x222: {  	v63 =	vmul.f32 v61, v61;
	v2 =	vadd.f32 v6, v2;
	v3 =	vadd.f32 v62, v3;
	_ =	sdelay $0x1  }
0x223: {  	v1 =	vadd.f32 v63, v1;
	v2 =	vadd.f32 v2, v3;
	_ =	sdelay $0x1  }
0x224: {  	v1 =	vadd.f32 v1, v2;
	_ =	sdelay $0x1  }
0x225: {  	s25 =	sadd.s32 $0x1, s25;
	v0 =	vadd.f32 v0, v1  }
0x226: {  	p0 =	sne.s32 s25, s15  }
.Ltmp16:
0x227: {  	[tilespmem:$0x1E700] =	vst v0;
	(pc) =	sbr.rel @p0 .LBB2_1-.Ltmp16, $4  }
0x228: {  	[hbm4b:s14+s3] =	stream.linear.scatter [tilespmem:s23], [sflag:$0x5], $0x80, $0x38;
	[tilespmem:$0x1E780] =	vst v63  }
0x229: {  	_ =	swait.ge [sflag:s24], $0x80  }
0x22a: {  	[sflag:s24] =	ssyncset.done $0x0  }
0x22b: {  	[sflag:s24] =	ssyncadd.s32 $0xFFFFFF80  }
0x22c: {  	_ =	sfence.sel $0x180000  }
0x22d: {  	[bflag:$0x0] =	sbarrier.arrive $0xFFFF  }
0x22e: {  	p0 =	sne.s32 s1, $0x0;
	_ =	strace $0x90000047  }
0x22f: {  	s0 =	sadd.s32 @!p0 $0x100000, s0;
	[bflag:$0x2] =	sbarrier.arrive $0xFFFF  }
0x230: {  	[sflag:s0] =	ssyncadd.tile.s32 @!p0 $0x1;
	_ =	shalt  }
.Lfunc_end2:
_tile_overlayer_lowered:
.L_overlay_start_2:
0x231: {  	(tag) =	ssettag $0x2  }
0x232: {  	s0 =	rddreg [dreg:$0x0];
	s2 =	stileid.u32  }
0x233: {  	s1 =	rddreg [dreg:$0x1];
	p0 =	sne.s32 s2, $0x0  }
0x234: {  	s3 =	rddreg [dreg:$0x2];
	[bflag:$0x3] =	sbarrier.arrive $0xFFFF;
	s2 =	simm.s32 @!p0 $0x1C05  }
0x235: {  	[timem:s3], [sflag:s2] =	dma.local @!p0 [hbm:s0], s1  }
0x236: {  	s0 =	simm.s32 @!p0 $0x5  }
0x237: {  	_ =	swait.ge @!p0 [sflag:s0], s1  }
0x238: {  	s1 =	ssub.s32 @!p0 $0x0, s1;
	[sflag:s0] =	ssyncset.done @!p0 $0x0  }
0x239: {  	[sflag:s0] =	ssyncadd.s32 @!p0 s1  }
0x23a: {  	[bflag:$0x3] =	sbarrier.arrive $0xFFFF  }
0x23b: {  	_ =	shalt  }

</sc_bundles>
